<compile_context>
chip_gen: v7x
topology: tpu7x:2x2x1
jax: 0.10.2.dev20260603
libtpu: 0.0.44.dev20260713+nightly
codegen_flags: <defaults>
</compile_context>

<pallas_src>
import functools
import math

import jax
import jax.numpy as jnp
from jax import lax
from jax.experimental import pallas as pl
from jax.experimental.pallas import tpu as pltpu
from jax.experimental.pallas import tpu_sc as plsc

_NC = 2
_NS = 16
_NW = _NC * _NS
_LANES = 16

_EMB = 64
_SCALE = math.sqrt(_EMB)

_NBUF = 4
_IDX_CHUNKS = (120, 80)


def _body(tok_hbm, table_hbm, out_hbm, idx_v, rows, gsems, osems,
          *, rows_per_w, seq, n_steps):
    wid = lax.axis_index("s") * _NC + lax.axis_index("c")
    row0 = wid * rows_per_w

    pltpu.sync_copy(tok_hbm.at[pl.ds(row0, rows_per_w)], idx_v)

    def gathers(b, r):
        cps, off = [], 0
        for w in _IDX_CHUNKS:
            cps.append(pltpu.make_async_copy(
                table_hbm.at[idx_v.at[r, pl.ds(off, w)]],
                rows.at[b, pl.ds(off, w)],
                gsems[b]))
            off += w
        return cps

    def out_copy(b, r):
        return pltpu.make_async_copy(rows.at[b], out_hbm.at[row0 + r], osems[b])

    def scale(b):
        @plsc.parallel_loop(0, seq, 1, unroll=4)
        def _(r):
            for c in range(_EMB // _LANES):
                sl = pl.ds(c * _LANES, _LANES)
                rows[b, r, sl] = rows[b, r, sl] * _SCALE

    for b in range(_NBUF):
        for cp in gathers(b, b):
            cp.start()

    @pl.loop(0, n_steps)
    def _(s):
        rb = s * _NBUF
        for b in range(_NBUF):
            @pl.when(s > 0)
            def _():
                out_copy(b, rb - _NBUF + b).wait()
                for cp in gathers(b, rb + b):
                    cp.start()
        for b in range(_NBUF):
            for cp in gathers(b, rb + b):
                cp.wait()
            scale(b)
            out_copy(b, rb + b).start()

    for b in range(_NBUF):
        out_copy(b, (n_steps - 1) * _NBUF + b).wait()


def kernel(tokens, table):
    bsz, seq = tokens.shape
    vocab, emb = table.shape
    assert emb == _EMB and seq == sum(_IDX_CHUNKS) and bsz % (_NW * _NBUF) == 0
    rows_per_w = bsz // _NW
    n_steps = rows_per_w // _NBUF

    tokens = tokens.astype(jnp.int32)
    table = table.astype(jnp.float32)

    mesh = plsc.VectorSubcoreMesh(
        core_axis_name="c", subcore_axis_name="s",
        num_cores=_NC, num_subcores=_NS)

    body = functools.partial(_body, rows_per_w=rows_per_w, seq=seq,
                             n_steps=n_steps)
    return pl.kernel(
        body,
        out_type=jax.ShapeDtypeStruct((bsz, seq, _EMB), jnp.float32),
        mesh=mesh,
        compiler_params=pltpu.CompilerParams(use_tc_tiling_on_sc=False),
        scratch_types=dict(
            idx_v=pltpu.VMEM((rows_per_w, seq), jnp.int32),
            rows=pltpu.VMEM((_NBUF, seq, _EMB), jnp.float32),
            gsems=[pltpu.SemaphoreType.DMA] * _NBUF,
            osems=[pltpu.SemaphoreType.DMA] * _NBUF,
        ),
    )(tokens, table)

# --- scband reference (transcript-rebuilt; emitter-appended) ---
"""Pipeline reference for scband-token-embedding-72730976191168 (READ-ONLY COPY).

The authoritative reference and input builder live on the scoring server;
editing this copy changes nothing except your own understanding.
"""

import jax, jax.numpy as jnp
import numpy as np
import math

VOCAB = 1000000
EMB = 64

def setup_inputs(seed: int = 0) -> dict:
    key = jax.random.key(seed)
    k1, k2 = jax.random.split(key)
    tokens = jax.random.randint(k1, (4096, 200), 0, VOCAB, dtype=jnp.int64) if jax.config.jax_enable_x64 else jax.random.randint(k1, (4096, 200), 0, VOCAB, dtype=jnp.int32)
    table = jax.random.normal(k2, (VOCAB, EMB), dtype=jnp.float32)
    return {"tokens": tokens, "table": table}

def reference(tokens, table):
    # TokenEmbedding.forward: embedding(tokens.long()) * sqrt(emb_size)
    emb = jnp.take(table, tokens, axis=0)
    return emb * math.sqrt(EMB)

if __name__ == "__main__":
    import jax
    _d = setup_inputs()
    print(jax.jit(kernel)(*tuple(_d.values())))

</pallas_src>

<mosaic_0001>
#map = affine_map<(d0, d1) -> (0, 0)>
#map1 = affine_map<(d0, d1) -> (0, 0, 0)>
module attributes {stable_mosaic.version = 14 : i64} {
  func.func @_body(%arg0: i32, %arg1: i32, %arg2: memref<4096x200xi32, #tpu.memory_space<hbm>>, %arg3: memref<1000000x64xf32, #tpu.memory_space<hbm>>, %arg4: memref<4096x200x64xf32, #tpu.memory_space<hbm>>, %arg5: memref<!tpu.dma_semaphore, #tpu.memory_space<semaphore_mem>>, %arg6: memref<!tpu.dma_semaphore, #tpu.memory_space<semaphore_mem>>, %arg7: memref<!tpu.dma_semaphore, #tpu.memory_space<semaphore_mem>>, %arg8: memref<!tpu.dma_semaphore, #tpu.memory_space<semaphore_mem>>, %arg9: memref<128x200xi32, #tpu.memory_space<vmem>>, %arg10: memref<!tpu.dma_semaphore, #tpu.memory_space<semaphore_mem>>, %arg11: memref<!tpu.dma_semaphore, #tpu.memory_space<semaphore_mem>>, %arg12: memref<!tpu.dma_semaphore, #tpu.memory_space<semaphore_mem>>, %arg13: memref<!tpu.dma_semaphore, #tpu.memory_space<semaphore_mem>>, %arg14: memref<4x200x64xf32, #tpu.memory_space<vmem>>) attributes {dimension_semantics = [#tpu.dimension_semantics<core_parallel>, #tpu.dimension_semantics<subcore_parallel>], iteration_bounds = array<i64: 2, 16>, scalar_prefetch = 0 : i64, scratch_operands = 10 : i64, tpu.core_type = #tpu.core_type<sc_vector_subcore>, window_params = [{transform_indices = #map}, {transform_indices = #map}, {transform_indices = #map1}]} {
    %mul3A = arith.constant 2 : i32
    %mul3A_0 = arith.muli %arg1, %mul3A : i32
    %add3A = arith.addi %mul3A_0, %arg0 : i32
    %mul3A_1 = arith.constant 128 : i32
    %mul3A_2 = arith.muli %add3A, %mul3A_1 : i32
    "tpu.region"() ({
      %run_scoped3A = tpu.sem_alloc : memref<!tpu.dma_semaphore, #tpu.memory_space<semaphore_mem>>
      %dma_start3A_177 = arith.constant 0 : i32
      %dma_start3A_178 = tpu.memref_slice %arg2[%mul3A_2, %dma_start3A_177] : memref<4096x200xi32, #tpu.memory_space<hbm>> -> memref<128x200xi32, #tpu.memory_space<hbm>>
      %dma_start3A_179 = arith.constant 0 : i32
      %dma_start3A_180 = tpu.memref_slice %arg2[%mul3A_2, %dma_start3A_179] : memref<4096x200xi32, #tpu.memory_space<hbm>> -> memref<128x200xi32, #tpu.memory_space<hbm>>
      tpu.enqueue_dma source(%dma_start3A_180 : memref<128x200xi32, #tpu.memory_space<hbm>>) target(%arg9 : memref<128x200xi32, #tpu.memory_space<vmem>>) target_semaphore(%run_scoped3A : memref<!tpu.dma_semaphore, #tpu.memory_space<semaphore_mem>>)
      %dma_wait3A_181 = arith.constant 0 : i32
      %dma_wait3A_182 = tpu.memref_slice %arg2[%mul3A_2, %dma_wait3A_181] : memref<4096x200xi32, #tpu.memory_space<hbm>> -> memref<128x200xi32, #tpu.memory_space<hbm>>
      %dma_wait3A_183 = arith.constant 0 : i32
      %dma_wait3A_184 = tpu.memref_slice %arg2[%mul3A_2, %dma_wait3A_183] : memref<4096x200xi32, #tpu.memory_space<hbm>> -> memref<128x200xi32, #tpu.memory_space<hbm>>
      tpu.wait_dma2 semaphore(%run_scoped3A : memref<!tpu.dma_semaphore, #tpu.memory_space<semaphore_mem>>) src(%dma_wait3A_184 : memref<128x200xi32, #tpu.memory_space<hbm>>) dst(%arg9 : memref<128x200xi32, #tpu.memory_space<vmem>>)
      tpu.yield
    }) : () -> ()
    %dma_start3A = arith.constant 0 : i32
    %dma_start3A_3 = arith.constant 0 : i32
    %dma_start3A_4 = arith.constant 0 : i32
    %dma_start3A_5 = arith.constant 0 : i32
    %dma_start3A_6 = tpu.memref_slice %arg14[%dma_start3A_3, %dma_start3A_4, %dma_start3A_5] : memref<4x200x64xf32, #tpu.memory_space<vmem>> -> memref<1x120x64xf32, #tpu.memory_space<vmem>>
    %dma_start3A_7 = tpu.memref_squeeze %dma_start3A_6 : memref<1x120x64xf32, #tpu.memory_space<vmem>> -> memref<120x64xf32, #tpu.memory_space<vmem>>
    %dma_start3A_8 = arith.constant 0 : i32
    %dma_start3A_9 = tpu.memref_slice %arg9[%dma_start3A, %dma_start3A_8] : memref<128x200xi32, #tpu.memory_space<vmem>> -> memref<1x120xi32, #tpu.memory_space<vmem>>
    %dma_start3A_10 = tpu.memref_squeeze %dma_start3A_9 : memref<1x120xi32, #tpu.memory_space<vmem>> -> memref<120xi32, #tpu.memory_space<vmem>>
    %dma_start3A_11 = arith.constant 0 : i32
    %dma_start3A_12 = arith.constant 0 : i32
    %dma_start3A_13 = tpu.memref_slice %arg3[%dma_start3A_11, %dma_start3A_12] : memref<1000000x64xf32, #tpu.memory_space<hbm>> -> memref<1000000x64xf32, #tpu.memory_space<hbm>>
    tpu.enqueue_indirect_dma source(%dma_start3A_13 : memref<1000000x64xf32, #tpu.memory_space<hbm>>) target(%dma_start3A_7 : memref<120x64xf32, #tpu.memory_space<vmem>>) offsets(%dma_start3A_10 : memref<120xi32, #tpu.memory_space<vmem>>) semaphore(%arg5 : memref<!tpu.dma_semaphore, #tpu.memory_space<semaphore_mem>>)
    %dma_start3A_14 = arith.constant 0 : i32
    %dma_start3A_15 = arith.constant 0 : i32
    %dma_start3A_16 = arith.constant 120 : i32
    %dma_start3A_17 = arith.constant 0 : i32
    %dma_start3A_18 = tpu.memref_slice %arg14[%dma_start3A_15, %dma_start3A_16, %dma_start3A_17] : memref<4x200x64xf32, #tpu.memory_space<vmem>> -> memref<1x80x64xf32, #tpu.memory_space<vmem>>
    %dma_start3A_19 = tpu.memref_squeeze %dma_start3A_18 : memref<1x80x64xf32, #tpu.memory_space<vmem>> -> memref<80x64xf32, #tpu.memory_space<vmem>>
    %dma_start3A_20 = arith.constant 120 : i32
    %dma_start3A_21 = tpu.memref_slice %arg9[%dma_start3A_14, %dma_start3A_20] : memref<128x200xi32, #tpu.memory_space<vmem>> -> memref<1x80xi32, #tpu.memory_space<vmem>>
    %dma_start3A_22 = tpu.memref_squeeze %dma_start3A_21 : memref<1x80xi32, #tpu.memory_space<vmem>> -> memref<80xi32, #tpu.memory_space<vmem>>
    %dma_start3A_23 = arith.constant 0 : i32
    %dma_start3A_24 = arith.constant 0 : i32
    %dma_start3A_25 = tpu.memref_slice %arg3[%dma_start3A_23, %dma_start3A_24] : memref<1000000x64xf32, #tpu.memory_space<hbm>> -> memref<1000000x64xf32, #tpu.memory_space<hbm>>
    tpu.enqueue_indirect_dma source(%dma_start3A_25 : memref<1000000x64xf32, #tpu.memory_space<hbm>>) target(%dma_start3A_19 : memref<80x64xf32, #tpu.memory_space<vmem>>) offsets(%dma_start3A_22 : memref<80xi32, #tpu.memory_space<vmem>>) semaphore(%arg5 : memref<!tpu.dma_semaphore, #tpu.memory_space<semaphore_mem>>)
    %dma_start3A_26 = arith.constant 1 : i32
    %dma_start3A_27 = arith.constant 1 : i32
    %dma_start3A_28 = arith.constant 0 : i32
    %dma_start3A_29 = arith.constant 0 : i32
    %dma_start3A_30 = tpu.memref_slice %arg14[%dma_start3A_27, %dma_start3A_28, %dma_start3A_29] : memref<4x200x64xf32, #tpu.memory_space<vmem>> -> memref<1x120x64xf32, #tpu.memory_space<vmem>>
    %dma_start3A_31 = tpu.memref_squeeze %dma_start3A_30 : memref<1x120x64xf32, #tpu.memory_space<vmem>> -> memref<120x64xf32, #tpu.memory_space<vmem>>
    %dma_start3A_32 = arith.constant 0 : i32
    %dma_start3A_33 = tpu.memref_slice %arg9[%dma_start3A_26, %dma_start3A_32] : memref<128x200xi32, #tpu.memory_space<vmem>> -> memref<1x120xi32, #tpu.memory_space<vmem>>
    %dma_start3A_34 = tpu.memref_squeeze %dma_start3A_33 : memref<1x120xi32, #tpu.memory_space<vmem>> -> memref<120xi32, #tpu.memory_space<vmem>>
    %dma_start3A_35 = arith.constant 0 : i32
    %dma_start3A_36 = arith.constant 0 : i32
    %dma_start3A_37 = tpu.memref_slice %arg3[%dma_start3A_35, %dma_start3A_36] : memref<1000000x64xf32, #tpu.memory_space<hbm>> -> memref<1000000x64xf32, #tpu.memory_space<hbm>>
    tpu.enqueue_indirect_dma source(%dma_start3A_37 : memref<1000000x64xf32, #tpu.memory_space<hbm>>) target(%dma_start3A_31 : memref<120x64xf32, #tpu.memory_space<vmem>>) offsets(%dma_start3A_34 : memref<120xi32, #tpu.memory_space<vmem>>) semaphore(%arg6 : memref<!tpu.dma_semaphore, #tpu.memory_space<semaphore_mem>>)
    %dma_start3A_38 = arith.constant 1 : i32
    %dma_start3A_39 = arith.constant 1 : i32
    %dma_start3A_40 = arith.constant 120 : i32
    %dma_start3A_41 = arith.constant 0 : i32
    %dma_start3A_42 = tpu.memref_slice %arg14[%dma_start3A_39, %dma_start3A_40, %dma_start3A_41] : memref<4x200x64xf32, #tpu.memory_space<vmem>> -> memref<1x80x64xf32, #tpu.memory_space<vmem>>
    %dma_start3A_43 = tpu.memref_squeeze %dma_start3A_42 : memref<1x80x64xf32, #tpu.memory_space<vmem>> -> memref<80x64xf32, #tpu.memory_space<vmem>>
    %dma_start3A_44 = arith.constant 120 : i32
    %dma_start3A_45 = tpu.memref_slice %arg9[%dma_start3A_38, %dma_start3A_44] : memref<128x200xi32, #tpu.memory_space<vmem>> -> memref<1x80xi32, #tpu.memory_space<vmem>>
    %dma_start3A_46 = tpu.memref_squeeze %dma_start3A_45 : memref<1x80xi32, #tpu.memory_space<vmem>> -> memref<80xi32, #tpu.memory_space<vmem>>
    %dma_start3A_47 = arith.constant 0 : i32
    %dma_start3A_48 = arith.constant 0 : i32
    %dma_start3A_49 = tpu.memref_slice %arg3[%dma_start3A_47, %dma_start3A_48] : memref<1000000x64xf32, #tpu.memory_space<hbm>> -> memref<1000000x64xf32, #tpu.memory_space<hbm>>
    tpu.enqueue_indirect_dma source(%dma_start3A_49 : memref<1000000x64xf32, #tpu.memory_space<hbm>>) target(%dma_start3A_43 : memref<80x64xf32, #tpu.memory_space<vmem>>) offsets(%dma_start3A_46 : memref<80xi32, #tpu.memory_space<vmem>>) semaphore(%arg6 : memref<!tpu.dma_semaphore, #tpu.memory_space<semaphore_mem>>)
    %dma_start3A_50 = arith.constant 2 : i32
    %dma_start3A_51 = arith.constant 2 : i32
    %dma_start3A_52 = arith.constant 0 : i32
    %dma_start3A_53 = arith.constant 0 : i32
    %dma_start3A_54 = tpu.memref_slice %arg14[%dma_start3A_51, %dma_start3A_52, %dma_start3A_53] : memref<4x200x64xf32, #tpu.memory_space<vmem>> -> memref<1x120x64xf32, #tpu.memory_space<vmem>>
    %dma_start3A_55 = tpu.memref_squeeze %dma_start3A_54 : memref<1x120x64xf32, #tpu.memory_space<vmem>> -> memref<120x64xf32, #tpu.memory_space<vmem>>
    %dma_start3A_56 = arith.constant 0 : i32
    %dma_start3A_57 = tpu.memref_slice %arg9[%dma_start3A_50, %dma_start3A_56] : memref<128x200xi32, #tpu.memory_space<vmem>> -> memref<1x120xi32, #tpu.memory_space<vmem>>
    %dma_start3A_58 = tpu.memref_squeeze %dma_start3A_57 : memref<1x120xi32, #tpu.memory_space<vmem>> -> memref<120xi32, #tpu.memory_space<vmem>>
    %dma_start3A_59 = arith.constant 0 : i32
    %dma_start3A_60 = arith.constant 0 : i32
    %dma_start3A_61 = tpu.memref_slice %arg3[%dma_start3A_59, %dma_start3A_60] : memref<1000000x64xf32, #tpu.memory_space<hbm>> -> memref<1000000x64xf32, #tpu.memory_space<hbm>>
    tpu.enqueue_indirect_dma source(%dma_start3A_61 : memref<1000000x64xf32, #tpu.memory_space<hbm>>) target(%dma_start3A_55 : memref<120x64xf32, #tpu.memory_space<vmem>>) offsets(%dma_start3A_58 : memref<120xi32, #tpu.memory_space<vmem>>) semaphore(%arg7 : memref<!tpu.dma_semaphore, #tpu.memory_space<semaphore_mem>>)
    %dma_start3A_62 = arith.constant 2 : i32
    %dma_start3A_63 = arith.constant 2 : i32
    %dma_start3A_64 = arith.constant 120 : i32
    %dma_start3A_65 = arith.constant 0 : i32
    %dma_start3A_66 = tpu.memref_slice %arg14[%dma_start3A_63, %dma_start3A_64, %dma_start3A_65] : memref<4x200x64xf32, #tpu.memory_space<vmem>> -> memref<1x80x64xf32, #tpu.memory_space<vmem>>
    %dma_start3A_67 = tpu.memref_squeeze %dma_start3A_66 : memref<1x80x64xf32, #tpu.memory_space<vmem>> -> memref<80x64xf32, #tpu.memory_space<vmem>>
    %dma_start3A_68 = arith.constant 120 : i32
    %dma_start3A_69 = tpu.memref_slice %arg9[%dma_start3A_62, %dma_start3A_68] : memref<128x200xi32, #tpu.memory_space<vmem>> -> memref<1x80xi32, #tpu.memory_space<vmem>>
    %dma_start3A_70 = tpu.memref_squeeze %dma_start3A_69 : memref<1x80xi32, #tpu.memory_space<vmem>> -> memref<80xi32, #tpu.memory_space<vmem>>
    %dma_start3A_71 = arith.constant 0 : i32
    %dma_start3A_72 = arith.constant 0 : i32
    %dma_start3A_73 = tpu.memref_slice %arg3[%dma_start3A_71, %dma_start3A_72] : memref<1000000x64xf32, #tpu.memory_space<hbm>> -> memref<1000000x64xf32, #tpu.memory_space<hbm>>
    tpu.enqueue_indirect_dma source(%dma_start3A_73 : memref<1000000x64xf32, #tpu.memory_space<hbm>>) target(%dma_start3A_67 : memref<80x64xf32, #tpu.memory_space<vmem>>) offsets(%dma_start3A_70 : memref<80xi32, #tpu.memory_space<vmem>>) semaphore(%arg7 : memref<!tpu.dma_semaphore, #tpu.memory_space<semaphore_mem>>)
    %dma_start3A_74 = arith.constant 3 : i32
    %dma_start3A_75 = arith.constant 3 : i32
    %dma_start3A_76 = arith.constant 0 : i32
    %dma_start3A_77 = arith.constant 0 : i32
    %dma_start3A_78 = tpu.memref_slice %arg14[%dma_start3A_75, %dma_start3A_76, %dma_start3A_77] : memref<4x200x64xf32, #tpu.memory_space<vmem>> -> memref<1x120x64xf32, #tpu.memory_space<vmem>>
    %dma_start3A_79 = tpu.memref_squeeze %dma_start3A_78 : memref<1x120x64xf32, #tpu.memory_space<vmem>> -> memref<120x64xf32, #tpu.memory_space<vmem>>
    %dma_start3A_80 = arith.constant 0 : i32
    %dma_start3A_81 = tpu.memref_slice %arg9[%dma_start3A_74, %dma_start3A_80] : memref<128x200xi32, #tpu.memory_space<vmem>> -> memref<1x120xi32, #tpu.memory_space<vmem>>
    %dma_start3A_82 = tpu.memref_squeeze %dma_start3A_81 : memref<1x120xi32, #tpu.memory_space<vmem>> -> memref<120xi32, #tpu.memory_space<vmem>>
    %dma_start3A_83 = arith.constant 0 : i32
    %dma_start3A_84 = arith.constant 0 : i32
    %dma_start3A_85 = tpu.memref_slice %arg3[%dma_start3A_83, %dma_start3A_84] : memref<1000000x64xf32, #tpu.memory_space<hbm>> -> memref<1000000x64xf32, #tpu.memory_space<hbm>>
    tpu.enqueue_indirect_dma source(%dma_start3A_85 : memref<1000000x64xf32, #tpu.memory_space<hbm>>) target(%dma_start3A_79 : memref<120x64xf32, #tpu.memory_space<vmem>>) offsets(%dma_start3A_82 : memref<120xi32, #tpu.memory_space<vmem>>) semaphore(%arg8 : memref<!tpu.dma_semaphore, #tpu.memory_space<semaphore_mem>>)
    %dma_start3A_86 = arith.constant 3 : i32
    %dma_start3A_87 = arith.constant 3 : i32
    %dma_start3A_88 = arith.constant 120 : i32
    %dma_start3A_89 = arith.constant 0 : i32
    %dma_start3A_90 = tpu.memref_slice %arg14[%dma_start3A_87, %dma_start3A_88, %dma_start3A_89] : memref<4x200x64xf32, #tpu.memory_space<vmem>> -> memref<1x80x64xf32, #tpu.memory_space<vmem>>
    %dma_start3A_91 = tpu.memref_squeeze %dma_start3A_90 : memref<1x80x64xf32, #tpu.memory_space<vmem>> -> memref<80x64xf32, #tpu.memory_space<vmem>>
    %dma_start3A_92 = arith.constant 120 : i32
    %dma_start3A_93 = tpu.memref_slice %arg9[%dma_start3A_86, %dma_start3A_92] : memref<128x200xi32, #tpu.memory_space<vmem>> -> memref<1x80xi32, #tpu.memory_space<vmem>>
    %dma_start3A_94 = tpu.memref_squeeze %dma_start3A_93 : memref<1x80xi32, #tpu.memory_space<vmem>> -> memref<80xi32, #tpu.memory_space<vmem>>
    %dma_start3A_95 = arith.constant 0 : i32
    %dma_start3A_96 = arith.constant 0 : i32
    %dma_start3A_97 = tpu.memref_slice %arg3[%dma_start3A_95, %dma_start3A_96] : memref<1000000x64xf32, #tpu.memory_space<hbm>> -> memref<1000000x64xf32, #tpu.memory_space<hbm>>
    tpu.enqueue_indirect_dma source(%dma_start3A_97 : memref<1000000x64xf32, #tpu.memory_space<hbm>>) target(%dma_start3A_91 : memref<80x64xf32, #tpu.memory_space<vmem>>) offsets(%dma_start3A_94 : memref<80xi32, #tpu.memory_space<vmem>>) semaphore(%arg8 : memref<!tpu.dma_semaphore, #tpu.memory_space<semaphore_mem>>)
    %scan3A = arith.constant 0 : i32
    %scan3A_98 = arith.constant 32 : i32
    %scan3A_99 = arith.addi %scan3A, %scan3A_98 : i32
    %scan3A_100 = arith.constant 1 : i32
    scf.for %scan3A_177 = %scan3A to %scan3A_99 step %scan3A_100  : i32 {
      %mul3A_178 = arith.constant 1 : i32
      %mul3A_179 = arith.muli %scan3A_177, %mul3A_178 : i32
      %add3A_180 = arith.constant 0 : i32
      %add3A_181 = arith.addi %add3A_180, %mul3A_179 : i32
      %mul3A_182 = arith.constant 4 : i32
      %mul3A_183 = arith.muli %add3A_181, %mul3A_182 : i32
      %gt3A = arith.constant 0 : i32
      %gt3A_184 = arith.cmpi sgt, %add3A_181, %gt3A : i32
      %convert_element_type3A = arith.extui %gt3A_184 : i1 to i32
      %cond3A = arith.constant 0 : i32
      %cond3A_185 = arith.cmpi ne, %convert_element_type3A, %cond3A : i32
      scf.if %cond3A_185 {
        %sub3A = arith.constant 4 : i32
        %sub3A_388 = arith.subi %mul3A_183, %sub3A : i32
        %add3A_389 = arith.constant 0 : i32
        %add3A_390 = arith.addi %sub3A_388, %add3A_389 : i32
        %add3A_391 = arith.addi %mul3A_2, %add3A_390 : i32
        %dma_wait3A_392 = arith.constant 0 : i32
        %dma_wait3A_393 = arith.constant 0 : i32
        %dma_wait3A_394 = arith.constant 0 : i32
        %dma_wait3A_395 = tpu.memref_slice %arg14[%dma_wait3A_392, %dma_wait3A_393, %dma_wait3A_394] : memref<4x200x64xf32, #tpu.memory_space<vmem>> -> memref<1x200x64xf32, #tpu.memory_space<vmem>>
        %dma_wait3A_396 = tpu.memref_squeeze %dma_wait3A_395 : memref<1x200x64xf32, #tpu.memory_space<vmem>> -> memref<200x64xf32, #tpu.memory_space<vmem>>
        %dma_wait3A_397 = arith.constant 0 : i32
        %dma_wait3A_398 = arith.constant 0 : i32
        %dma_wait3A_399 = tpu.memref_slice %arg4[%add3A_391, %dma_wait3A_397, %dma_wait3A_398] : memref<4096x200x64xf32, #tpu.memory_space<hbm>> -> memref<1x200x64xf32, #tpu.memory_space<hbm>>
        %dma_wait3A_400 = tpu.memref_squeeze %dma_wait3A_399 : memref<1x200x64xf32, #tpu.memory_space<hbm>> -> memref<200x64xf32, #tpu.memory_space<hbm>>
        %dma_wait3A_401 = arith.constant 0 : i32
        %dma_wait3A_402 = arith.constant 0 : i32
        %dma_wait3A_403 = tpu.memref_slice %arg4[%add3A_391, %dma_wait3A_401, %dma_wait3A_402] : memref<4096x200x64xf32, #tpu.memory_space<hbm>> -> memref<1x200x64xf32, #tpu.memory_space<hbm>>
        %dma_wait3A_404 = tpu.memref_squeeze %dma_wait3A_403 : memref<1x200x64xf32, #tpu.memory_space<hbm>> -> memref<200x64xf32, #tpu.memory_space<hbm>>
        %dma_wait3A_405 = arith.constant 0 : i32
        %dma_wait3A_406 = arith.constant 0 : i32
        %dma_wait3A_407 = tpu.memref_slice %arg14[%dma_wait3A_392, %dma_wait3A_405, %dma_wait3A_406] : memref<4x200x64xf32, #tpu.memory_space<vmem>> -> memref<1x200x64xf32, #tpu.memory_space<vmem>>
        %dma_wait3A_408 = tpu.memref_squeeze %dma_wait3A_407 : memref<1x200x64xf32, #tpu.memory_space<vmem>> -> memref<200x64xf32, #tpu.memory_space<vmem>>
        tpu.wait_dma2 semaphore(%arg10 : memref<!tpu.dma_semaphore, #tpu.memory_space<semaphore_mem>>) src(%dma_wait3A_408 : memref<200x64xf32, #tpu.memory_space<vmem>>) dst(%dma_wait3A_404 : memref<200x64xf32, #tpu.memory_space<hbm>>)
        %add3A_409 = arith.constant 0 : i32
        %add3A_410 = arith.addi %mul3A_183, %add3A_409 : i32
        %dma_start3A_411 = arith.constant 0 : i32
        %dma_start3A_412 = arith.constant 0 : i32
        %dma_start3A_413 = arith.constant 0 : i32
        %dma_start3A_414 = tpu.memref_slice %arg14[%dma_start3A_411, %dma_start3A_412, %dma_start3A_413] : memref<4x200x64xf32, #tpu.memory_space<vmem>> -> memref<1x120x64xf32, #tpu.memory_space<vmem>>
        %dma_start3A_415 = tpu.memref_squeeze %dma_start3A_414 : memref<1x120x64xf32, #tpu.memory_space<vmem>> -> memref<120x64xf32, #tpu.memory_space<vmem>>
        %dma_start3A_416 = arith.constant 0 : i32
        %dma_start3A_417 = tpu.memref_slice %arg9[%add3A_410, %dma_start3A_416] : memref<128x200xi32, #tpu.memory_space<vmem>> -> memref<1x120xi32, #tpu.memory_space<vmem>>
        %dma_start3A_418 = tpu.memref_squeeze %dma_start3A_417 : memref<1x120xi32, #tpu.memory_space<vmem>> -> memref<120xi32, #tpu.memory_space<vmem>>
        %dma_start3A_419 = arith.constant 0 : i32
        %dma_start3A_420 = arith.constant 0 : i32
        %dma_start3A_421 = tpu.memref_slice %arg3[%dma_start3A_419, %dma_start3A_420] : memref<1000000x64xf32, #tpu.memory_space<hbm>> -> memref<1000000x64xf32, #tpu.memory_space<hbm>>
        tpu.enqueue_indirect_dma source(%dma_start3A_421 : memref<1000000x64xf32, #tpu.memory_space<hbm>>) target(%dma_start3A_415 : memref<120x64xf32, #tpu.memory_space<vmem>>) offsets(%dma_start3A_418 : memref<120xi32, #tpu.memory_space<vmem>>) semaphore(%arg5 : memref<!tpu.dma_semaphore, #tpu.memory_space<semaphore_mem>>)
        %dma_start3A_422 = arith.constant 0 : i32
        %dma_start3A_423 = arith.constant 120 : i32
        %dma_start3A_424 = arith.constant 0 : i32
        %dma_start3A_425 = tpu.memref_slice %arg14[%dma_start3A_422, %dma_start3A_423, %dma_start3A_424] : memref<4x200x64xf32, #tpu.memory_space<vmem>> -> memref<1x80x64xf32, #tpu.memory_space<vmem>>
        %dma_start3A_426 = tpu.memref_squeeze %dma_start3A_425 : memref<1x80x64xf32, #tpu.memory_space<vmem>> -> memref<80x64xf32, #tpu.memory_space<vmem>>
        %dma_start3A_427 = arith.constant 120 : i32
        %dma_start3A_428 = tpu.memref_slice %arg9[%add3A_410, %dma_start3A_427] : memref<128x200xi32, #tpu.memory_space<vmem>> -> memref<1x80xi32, #tpu.memory_space<vmem>>
        %dma_start3A_429 = tpu.memref_squeeze %dma_start3A_428 : memref<1x80xi32, #tpu.memory_space<vmem>> -> memref<80xi32, #tpu.memory_space<vmem>>
        %dma_start3A_430 = arith.constant 0 : i32
        %dma_start3A_431 = arith.constant 0 : i32
        %dma_start3A_432 = tpu.memref_slice %arg3[%dma_start3A_430, %dma_start3A_431] : memref<1000000x64xf32, #tpu.memory_space<hbm>> -> memref<1000000x64xf32, #tpu.memory_space<hbm>>
        tpu.enqueue_indirect_dma source(%dma_start3A_432 : memref<1000000x64xf32, #tpu.memory_space<hbm>>) target(%dma_start3A_426 : memref<80x64xf32, #tpu.memory_space<vmem>>) offsets(%dma_start3A_429 : memref<80xi32, #tpu.memory_space<vmem>>) semaphore(%arg5 : memref<!tpu.dma_semaphore, #tpu.memory_space<semaphore_mem>>)
      } else {
      }
      %gt3A_186 = arith.constant 0 : i32
      %gt3A_187 = arith.cmpi sgt, %add3A_181, %gt3A_186 : i32
      %convert_element_type3A_188 = arith.extui %gt3A_187 : i1 to i32
      %cond3A_189 = arith.constant 0 : i32
      %cond3A_190 = arith.cmpi ne, %convert_element_type3A_188, %cond3A_189 : i32
      scf.if %cond3A_190 {
        %sub3A = arith.constant 4 : i32
        %sub3A_388 = arith.subi %mul3A_183, %sub3A : i32
        %add3A_389 = arith.constant 1 : i32
        %add3A_390 = arith.addi %sub3A_388, %add3A_389 : i32
        %add3A_391 = arith.addi %mul3A_2, %add3A_390 : i32
        %dma_wait3A_392 = arith.constant 1 : i32
        %dma_wait3A_393 = arith.constant 0 : i32
        %dma_wait3A_394 = arith.constant 0 : i32
        %dma_wait3A_395 = tpu.memref_slice %arg14[%dma_wait3A_392, %dma_wait3A_393, %dma_wait3A_394] : memref<4x200x64xf32, #tpu.memory_space<vmem>> -> memref<1x200x64xf32, #tpu.memory_space<vmem>>
        %dma_wait3A_396 = tpu.memref_squeeze %dma_wait3A_395 : memref<1x200x64xf32, #tpu.memory_space<vmem>> -> memref<200x64xf32, #tpu.memory_space<vmem>>
        %dma_wait3A_397 = arith.constant 0 : i32
        %dma_wait3A_398 = arith.constant 0 : i32
        %dma_wait3A_399 = tpu.memref_slice %arg4[%add3A_391, %dma_wait3A_397, %dma_wait3A_398] : memref<4096x200x64xf32, #tpu.memory_space<hbm>> -> memref<1x200x64xf32, #tpu.memory_space<hbm>>
        %dma_wait3A_400 = tpu.memref_squeeze %dma_wait3A_399 : memref<1x200x64xf32, #tpu.memory_space<hbm>> -> memref<200x64xf32, #tpu.memory_space<hbm>>
        %dma_wait3A_401 = arith.constant 0 : i32
        %dma_wait3A_402 = arith.constant 0 : i32
        %dma_wait3A_403 = tpu.memref_slice %arg4[%add3A_391, %dma_wait3A_401, %dma_wait3A_402] : memref<4096x200x64xf32, #tpu.memory_space<hbm>> -> memref<1x200x64xf32, #tpu.memory_space<hbm>>
        %dma_wait3A_404 = tpu.memref_squeeze %dma_wait3A_403 : memref<1x200x64xf32, #tpu.memory_space<hbm>> -> memref<200x64xf32, #tpu.memory_space<hbm>>
        %dma_wait3A_405 = arith.constant 0 : i32
        %dma_wait3A_406 = arith.constant 0 : i32
        %dma_wait3A_407 = tpu.memref_slice %arg14[%dma_wait3A_392, %dma_wait3A_405, %dma_wait3A_406] : memref<4x200x64xf32, #tpu.memory_space<vmem>> -> memref<1x200x64xf32, #tpu.memory_space<vmem>>
        %dma_wait3A_408 = tpu.memref_squeeze %dma_wait3A_407 : memref<1x200x64xf32, #tpu.memory_space<vmem>> -> memref<200x64xf32, #tpu.memory_space<vmem>>
        tpu.wait_dma2 semaphore(%arg11 : memref<!tpu.dma_semaphore, #tpu.memory_space<semaphore_mem>>) src(%dma_wait3A_408 : memref<200x64xf32, #tpu.memory_space<vmem>>) dst(%dma_wait3A_404 : memref<200x64xf32, #tpu.memory_space<hbm>>)
        %add3A_409 = arith.constant 1 : i32
        %add3A_410 = arith.addi %mul3A_183, %add3A_409 : i32
        %dma_start3A_411 = arith.constant 1 : i32
        %dma_start3A_412 = arith.constant 0 : i32
        %dma_start3A_413 = arith.constant 0 : i32
        %dma_start3A_414 = tpu.memref_slice %arg14[%dma_start3A_411, %dma_start3A_412, %dma_start3A_413] : memref<4x200x64xf32, #tpu.memory_space<vmem>> -> memref<1x120x64xf32, #tpu.memory_space<vmem>>
        %dma_start3A_415 = tpu.memref_squeeze %dma_start3A_414 : memref<1x120x64xf32, #tpu.memory_space<vmem>> -> memref<120x64xf32, #tpu.memory_space<vmem>>
        %dma_start3A_416 = arith.constant 0 : i32
        %dma_start3A_417 = tpu.memref_slice %arg9[%add3A_410, %dma_start3A_416] : memref<128x200xi32, #tpu.memory_space<vmem>> -> memref<1x120xi32, #tpu.memory_space<vmem>>
        %dma_start3A_418 = tpu.memref_squeeze %dma_start3A_417 : memref<1x120xi32, #tpu.memory_space<vmem>> -> memref<120xi32, #tpu.memory_space<vmem>>
        %dma_start3A_419 = arith.constant 0 : i32
        %dma_start3A_420 = arith.constant 0 : i32
        %dma_start3A_421 = tpu.memref_slice %arg3[%dma_start3A_419, %dma_start3A_420] : memref<1000000x64xf32, #tpu.memory_space<hbm>> -> memref<1000000x64xf32, #tpu.memory_space<hbm>>
        tpu.enqueue_indirect_dma source(%dma_start3A_421 : memref<1000000x64xf32, #tpu.memory_space<hbm>>) target(%dma_start3A_415 : memref<120x64xf32, #tpu.memory_space<vmem>>) offsets(%dma_start3A_418 : memref<120xi32, #tpu.memory_space<vmem>>) semaphore(%arg6 : memref<!tpu.dma_semaphore, #tpu.memory_space<semaphore_mem>>)
        %dma_start3A_422 = arith.constant 1 : i32
        %dma_start3A_423 = arith.constant 120 : i32
        %dma_start3A_424 = arith.constant 0 : i32
        %dma_start3A_425 = tpu.memref_slice %arg14[%dma_start3A_422, %dma_start3A_423, %dma_start3A_424] : memref<4x200x64xf32, #tpu.memory_space<vmem>> -> memref<1x80x64xf32, #tpu.memory_space<vmem>>
        %dma_start3A_426 = tpu.memref_squeeze %dma_start3A_425 : memref<1x80x64xf32, #tpu.memory_space<vmem>> -> memref<80x64xf32, #tpu.memory_space<vmem>>
        %dma_start3A_427 = arith.constant 120 : i32
        %dma_start3A_428 = tpu.memref_slice %arg9[%add3A_410, %dma_start3A_427] : memref<128x200xi32, #tpu.memory_space<vmem>> -> memref<1x80xi32, #tpu.memory_space<vmem>>
        %dma_start3A_429 = tpu.memref_squeeze %dma_start3A_428 : memref<1x80xi32, #tpu.memory_space<vmem>> -> memref<80xi32, #tpu.memory_space<vmem>>
        %dma_start3A_430 = arith.constant 0 : i32
        %dma_start3A_431 = arith.constant 0 : i32
        %dma_start3A_432 = tpu.memref_slice %arg3[%dma_start3A_430, %dma_start3A_431] : memref<1000000x64xf32, #tpu.memory_space<hbm>> -> memref<1000000x64xf32, #tpu.memory_space<hbm>>
        tpu.enqueue_indirect_dma source(%dma_start3A_432 : memref<1000000x64xf32, #tpu.memory_space<hbm>>) target(%dma_start3A_426 : memref<80x64xf32, #tpu.memory_space<vmem>>) offsets(%dma_start3A_429 : memref<80xi32, #tpu.memory_space<vmem>>) semaphore(%arg6 : memref<!tpu.dma_semaphore, #tpu.memory_space<semaphore_mem>>)
      } else {
      }
      %gt3A_191 = arith.constant 0 : i32
      %gt3A_192 = arith.cmpi sgt, %add3A_181, %gt3A_191 : i32
      %convert_element_type3A_193 = arith.extui %gt3A_192 : i1 to i32
      %cond3A_194 = arith.constant 0 : i32
      %cond3A_195 = arith.cmpi ne, %convert_element_type3A_193, %cond3A_194 : i32
      scf.if %cond3A_195 {
        %sub3A = arith.constant 4 : i32
        %sub3A_388 = arith.subi %mul3A_183, %sub3A : i32
        %add3A_389 = arith.constant 2 : i32
        %add3A_390 = arith.addi %sub3A_388, %add3A_389 : i32
        %add3A_391 = arith.addi %mul3A_2, %add3A_390 : i32
        %dma_wait3A_392 = arith.constant 2 : i32
        %dma_wait3A_393 = arith.constant 0 : i32
        %dma_wait3A_394 = arith.constant 0 : i32
        %dma_wait3A_395 = tpu.memref_slice %arg14[%dma_wait3A_392, %dma_wait3A_393, %dma_wait3A_394] : memref<4x200x64xf32, #tpu.memory_space<vmem>> -> memref<1x200x64xf32, #tpu.memory_space<vmem>>
        %dma_wait3A_396 = tpu.memref_squeeze %dma_wait3A_395 : memref<1x200x64xf32, #tpu.memory_space<vmem>> -> memref<200x64xf32, #tpu.memory_space<vmem>>
        %dma_wait3A_397 = arith.constant 0 : i32
        %dma_wait3A_398 = arith.constant 0 : i32
        %dma_wait3A_399 = tpu.memref_slice %arg4[%add3A_391, %dma_wait3A_397, %dma_wait3A_398] : memref<4096x200x64xf32, #tpu.memory_space<hbm>> -> memref<1x200x64xf32, #tpu.memory_space<hbm>>
        %dma_wait3A_400 = tpu.memref_squeeze %dma_wait3A_399 : memref<1x200x64xf32, #tpu.memory_space<hbm>> -> memref<200x64xf32, #tpu.memory_space<hbm>>
        %dma_wait3A_401 = arith.constant 0 : i32
        %dma_wait3A_402 = arith.constant 0 : i32
        %dma_wait3A_403 = tpu.memref_slice %arg4[%add3A_391, %dma_wait3A_401, %dma_wait3A_402] : memref<4096x200x64xf32, #tpu.memory_space<hbm>> -> memref<1x200x64xf32, #tpu.memory_space<hbm>>
        %dma_wait3A_404 = tpu.memref_squeeze %dma_wait3A_403 : memref<1x200x64xf32, #tpu.memory_space<hbm>> -> memref<200x64xf32, #tpu.memory_space<hbm>>
        %dma_wait3A_405 = arith.constant 0 : i32
        %dma_wait3A_406 = arith.constant 0 : i32
        %dma_wait3A_407 = tpu.memref_slice %arg14[%dma_wait3A_392, %dma_wait3A_405, %dma_wait3A_406] : memref<4x200x64xf32, #tpu.memory_space<vmem>> -> memref<1x200x64xf32, #tpu.memory_space<vmem>>
        %dma_wait3A_408 = tpu.memref_squeeze %dma_wait3A_407 : memref<1x200x64xf32, #tpu.memory_space<vmem>> -> memref<200x64xf32, #tpu.memory_space<vmem>>
        tpu.wait_dma2 semaphore(%arg12 : memref<!tpu.dma_semaphore, #tpu.memory_space<semaphore_mem>>) src(%dma_wait3A_408 : memref<200x64xf32, #tpu.memory_space<vmem>>) dst(%dma_wait3A_404 : memref<200x64xf32, #tpu.memory_space<hbm>>)
        %add3A_409 = arith.constant 2 : i32
        %add3A_410 = arith.addi %mul3A_183, %add3A_409 : i32
        %dma_start3A_411 = arith.constant 2 : i32
        %dma_start3A_412 = arith.constant 0 : i32
        %dma_start3A_413 = arith.constant 0 : i32
        %dma_start3A_414 = tpu.memref_slice %arg14[%dma_start3A_411, %dma_start3A_412, %dma_start3A_413] : memref<4x200x64xf32, #tpu.memory_space<vmem>> -> memref<1x120x64xf32, #tpu.memory_space<vmem>>
        %dma_start3A_415 = tpu.memref_squeeze %dma_start3A_414 : memref<1x120x64xf32, #tpu.memory_space<vmem>> -> memref<120x64xf32, #tpu.memory_space<vmem>>
        %dma_start3A_416 = arith.constant 0 : i32
        %dma_start3A_417 = tpu.memref_slice %arg9[%add3A_410, %dma_start3A_416] : memref<128x200xi32, #tpu.memory_space<vmem>> -> memref<1x120xi32, #tpu.memory_space<vmem>>
        %dma_start3A_418 = tpu.memref_squeeze %dma_start3A_417 : memref<1x120xi32, #tpu.memory_space<vmem>> -> memref<120xi32, #tpu.memory_space<vmem>>
        %dma_start3A_419 = arith.constant 0 : i32
        %dma_start3A_420 = arith.constant 0 : i32
        %dma_start3A_421 = tpu.memref_slice %arg3[%dma_start3A_419, %dma_start3A_420] : memref<1000000x64xf32, #tpu.memory_space<hbm>> -> memref<1000000x64xf32, #tpu.memory_space<hbm>>
        tpu.enqueue_indirect_dma source(%dma_start3A_421 : memref<1000000x64xf32, #tpu.memory_space<hbm>>) target(%dma_start3A_415 : memref<120x64xf32, #tpu.memory_space<vmem>>) offsets(%dma_start3A_418 : memref<120xi32, #tpu.memory_space<vmem>>) semaphore(%arg7 : memref<!tpu.dma_semaphore, #tpu.memory_space<semaphore_mem>>)
        %dma_start3A_422 = arith.constant 2 : i32
        %dma_start3A_423 = arith.constant 120 : i32
        %dma_start3A_424 = arith.constant 0 : i32
        %dma_start3A_425 = tpu.memref_slice %arg14[%dma_start3A_422, %dma_start3A_423, %dma_start3A_424] : memref<4x200x64xf32, #tpu.memory_space<vmem>> -> memref<1x80x64xf32, #tpu.memory_space<vmem>>
        %dma_start3A_426 = tpu.memref_squeeze %dma_start3A_425 : memref<1x80x64xf32, #tpu.memory_space<vmem>> -> memref<80x64xf32, #tpu.memory_space<vmem>>
        %dma_start3A_427 = arith.constant 120 : i32
        %dma_start3A_428 = tpu.memref_slice %arg9[%add3A_410, %dma_start3A_427] : memref<128x200xi32, #tpu.memory_space<vmem>> -> memref<1x80xi32, #tpu.memory_space<vmem>>
        %dma_start3A_429 = tpu.memref_squeeze %dma_start3A_428 : memref<1x80xi32, #tpu.memory_space<vmem>> -> memref<80xi32, #tpu.memory_space<vmem>>
        %dma_start3A_430 = arith.constant 0 : i32
        %dma_start3A_431 = arith.constant 0 : i32
        %dma_start3A_432 = tpu.memref_slice %arg3[%dma_start3A_430, %dma_start3A_431] : memref<1000000x64xf32, #tpu.memory_space<hbm>> -> memref<1000000x64xf32, #tpu.memory_space<hbm>>
        tpu.enqueue_indirect_dma source(%dma_start3A_432 : memref<1000000x64xf32, #tpu.memory_space<hbm>>) target(%dma_start3A_426 : memref<80x64xf32, #tpu.memory_space<vmem>>) offsets(%dma_start3A_429 : memref<80xi32, #tpu.memory_space<vmem>>) semaphore(%arg7 : memref<!tpu.dma_semaphore, #tpu.memory_space<semaphore_mem>>)
      } else {
      }
      %gt3A_196 = arith.constant 0 : i32
      %gt3A_197 = arith.cmpi sgt, %add3A_181, %gt3A_196 : i32
      %convert_element_type3A_198 = arith.extui %gt3A_197 : i1 to i32
      %cond3A_199 = arith.constant 0 : i32
      %cond3A_200 = arith.cmpi ne, %convert_element_type3A_198, %cond3A_199 : i32
      scf.if %cond3A_200 {
        %sub3A = arith.constant 4 : i32
        %sub3A_388 = arith.subi %mul3A_183, %sub3A : i32
        %add3A_389 = arith.constant 3 : i32
        %add3A_390 = arith.addi %sub3A_388, %add3A_389 : i32
        %add3A_391 = arith.addi %mul3A_2, %add3A_390 : i32
        %dma_wait3A_392 = arith.constant 3 : i32
        %dma_wait3A_393 = arith.constant 0 : i32
        %dma_wait3A_394 = arith.constant 0 : i32
        %dma_wait3A_395 = tpu.memref_slice %arg14[%dma_wait3A_392, %dma_wait3A_393, %dma_wait3A_394] : memref<4x200x64xf32, #tpu.memory_space<vmem>> -> memref<1x200x64xf32, #tpu.memory_space<vmem>>
        %dma_wait3A_396 = tpu.memref_squeeze %dma_wait3A_395 : memref<1x200x64xf32, #tpu.memory_space<vmem>> -> memref<200x64xf32, #tpu.memory_space<vmem>>
        %dma_wait3A_397 = arith.constant 0 : i32
        %dma_wait3A_398 = arith.constant 0 : i32
        %dma_wait3A_399 = tpu.memref_slice %arg4[%add3A_391, %dma_wait3A_397, %dma_wait3A_398] : memref<4096x200x64xf32, #tpu.memory_space<hbm>> -> memref<1x200x64xf32, #tpu.memory_space<hbm>>
        %dma_wait3A_400 = tpu.memref_squeeze %dma_wait3A_399 : memref<1x200x64xf32, #tpu.memory_space<hbm>> -> memref<200x64xf32, #tpu.memory_space<hbm>>
        %dma_wait3A_401 = arith.constant 0 : i32
        %dma_wait3A_402 = arith.constant 0 : i32
        %dma_wait3A_403 = tpu.memref_slice %arg4[%add3A_391, %dma_wait3A_401, %dma_wait3A_402] : memref<4096x200x64xf32, #tpu.memory_space<hbm>> -> memref<1x200x64xf32, #tpu.memory_space<hbm>>
        %dma_wait3A_404 = tpu.memref_squeeze %dma_wait3A_403 : memref<1x200x64xf32, #tpu.memory_space<hbm>> -> memref<200x64xf32, #tpu.memory_space<hbm>>
        %dma_wait3A_405 = arith.constant 0 : i32
        %dma_wait3A_406 = arith.constant 0 : i32
        %dma_wait3A_407 = tpu.memref_slice %arg14[%dma_wait3A_392, %dma_wait3A_405, %dma_wait3A_406] : memref<4x200x64xf32, #tpu.memory_space<vmem>> -> memref<1x200x64xf32, #tpu.memory_space<vmem>>
        %dma_wait3A_408 = tpu.memref_squeeze %dma_wait3A_407 : memref<1x200x64xf32, #tpu.memory_space<vmem>> -> memref<200x64xf32, #tpu.memory_space<vmem>>
        tpu.wait_dma2 semaphore(%arg13 : memref<!tpu.dma_semaphore, #tpu.memory_space<semaphore_mem>>) src(%dma_wait3A_408 : memref<200x64xf32, #tpu.memory_space<vmem>>) dst(%dma_wait3A_404 : memref<200x64xf32, #tpu.memory_space<hbm>>)
        %add3A_409 = arith.constant 3 : i32
        %add3A_410 = arith.addi %mul3A_183, %add3A_409 : i32
        %dma_start3A_411 = arith.constant 3 : i32
        %dma_start3A_412 = arith.constant 0 : i32
        %dma_start3A_413 = arith.constant 0 : i32
        %dma_start3A_414 = tpu.memref_slice %arg14[%dma_start3A_411, %dma_start3A_412, %dma_start3A_413] : memref<4x200x64xf32, #tpu.memory_space<vmem>> -> memref<1x120x64xf32, #tpu.memory_space<vmem>>
        %dma_start3A_415 = tpu.memref_squeeze %dma_start3A_414 : memref<1x120x64xf32, #tpu.memory_space<vmem>> -> memref<120x64xf32, #tpu.memory_space<vmem>>
        %dma_start3A_416 = arith.constant 0 : i32
        %dma_start3A_417 = tpu.memref_slice %arg9[%add3A_410, %dma_start3A_416] : memref<128x200xi32, #tpu.memory_space<vmem>> -> memref<1x120xi32, #tpu.memory_space<vmem>>
        %dma_start3A_418 = tpu.memref_squeeze %dma_start3A_417 : memref<1x120xi32, #tpu.memory_space<vmem>> -> memref<120xi32, #tpu.memory_space<vmem>>
        %dma_start3A_419 = arith.constant 0 : i32
        %dma_start3A_420 = arith.constant 0 : i32
        %dma_start3A_421 = tpu.memref_slice %arg3[%dma_start3A_419, %dma_start3A_420] : memref<1000000x64xf32, #tpu.memory_space<hbm>> -> memref<1000000x64xf32, #tpu.memory_space<hbm>>
        tpu.enqueue_indirect_dma source(%dma_start3A_421 : memref<1000000x64xf32, #tpu.memory_space<hbm>>) target(%dma_start3A_415 : memref<120x64xf32, #tpu.memory_space<vmem>>) offsets(%dma_start3A_418 : memref<120xi32, #tpu.memory_space<vmem>>) semaphore(%arg8 : memref<!tpu.dma_semaphore, #tpu.memory_space<semaphore_mem>>)
        %dma_start3A_422 = arith.constant 3 : i32
        %dma_start3A_423 = arith.constant 120 : i32
        %dma_start3A_424 = arith.constant 0 : i32
        %dma_start3A_425 = tpu.memref_slice %arg14[%dma_start3A_422, %dma_start3A_423, %dma_start3A_424] : memref<4x200x64xf32, #tpu.memory_space<vmem>> -> memref<1x80x64xf32, #tpu.memory_space<vmem>>
        %dma_start3A_426 = tpu.memref_squeeze %dma_start3A_425 : memref<1x80x64xf32, #tpu.memory_space<vmem>> -> memref<80x64xf32, #tpu.memory_space<vmem>>
        %dma_start3A_427 = arith.constant 120 : i32
        %dma_start3A_428 = tpu.memref_slice %arg9[%add3A_410, %dma_start3A_427] : memref<128x200xi32, #tpu.memory_space<vmem>> -> memref<1x80xi32, #tpu.memory_space<vmem>>
        %dma_start3A_429 = tpu.memref_squeeze %dma_start3A_428 : memref<1x80xi32, #tpu.memory_space<vmem>> -> memref<80xi32, #tpu.memory_space<vmem>>
        %dma_start3A_430 = arith.constant 0 : i32
        %dma_start3A_431 = arith.constant 0 : i32
        %dma_start3A_432 = tpu.memref_slice %arg3[%dma_start3A_430, %dma_start3A_431] : memref<1000000x64xf32, #tpu.memory_space<hbm>> -> memref<1000000x64xf32, #tpu.memory_space<hbm>>
        tpu.enqueue_indirect_dma source(%dma_start3A_432 : memref<1000000x64xf32, #tpu.memory_space<hbm>>) target(%dma_start3A_426 : memref<80x64xf32, #tpu.memory_space<vmem>>) offsets(%dma_start3A_429 : memref<80xi32, #tpu.memory_space<vmem>>) semaphore(%arg8 : memref<!tpu.dma_semaphore, #tpu.memory_space<semaphore_mem>>)
      } else {
      }
      %add3A_201 = arith.constant 0 : i32
      %add3A_202 = arith.addi %mul3A_183, %add3A_201 : i32
      %dma_wait3A_203 = arith.constant 0 : i32
      %dma_wait3A_204 = arith.constant 0 : i32
      %dma_wait3A_205 = arith.constant 0 : i32
      %dma_wait3A_206 = tpu.memref_slice %arg14[%dma_wait3A_203, %dma_wait3A_204, %dma_wait3A_205] : memref<4x200x64xf32, #tpu.memory_space<vmem>> -> memref<1x120x64xf32, #tpu.memory_space<vmem>>
      %dma_wait3A_207 = tpu.memref_squeeze %dma_wait3A_206 : memref<1x120x64xf32, #tpu.memory_space<vmem>> -> memref<120x64xf32, #tpu.memory_space<vmem>>
      %dma_wait3A_208 = arith.constant 0 : i32
      %dma_wait3A_209 = tpu.memref_slice %arg9[%add3A_202, %dma_wait3A_208] : memref<128x200xi32, #tpu.memory_space<vmem>> -> memref<1x120xi32, #tpu.memory_space<vmem>>
      %dma_wait3A_210 = tpu.memref_squeeze %dma_wait3A_209 : memref<1x120xi32, #tpu.memory_space<vmem>> -> memref<120xi32, #tpu.memory_space<vmem>>
      %dma_wait3A_211 = arith.constant 0 : i32
      %dma_wait3A_212 = arith.constant 0 : i32
      %dma_wait3A_213 = tpu.memref_slice %arg3[%dma_wait3A_211, %dma_wait3A_212] : memref<1000000x64xf32, #tpu.memory_space<hbm>> -> memref<1000000x64xf32, #tpu.memory_space<hbm>>
      tpu.wait_indirect_dma semaphore(%arg5 : memref<!tpu.dma_semaphore, #tpu.memory_space<semaphore_mem>>) src(%dma_wait3A_213 : memref<1000000x64xf32, #tpu.memory_space<hbm>>) dst(%dma_wait3A_207 : memref<120x64xf32, #tpu.memory_space<vmem>>)
      %dma_wait3A_214 = arith.constant 0 : i32
      %dma_wait3A_215 = arith.constant 120 : i32
      %dma_wait3A_216 = arith.constant 0 : i32
      %dma_wait3A_217 = tpu.memref_slice %arg14[%dma_wait3A_214, %dma_wait3A_215, %dma_wait3A_216] : memref<4x200x64xf32, #tpu.memory_space<vmem>> -> memref<1x80x64xf32, #tpu.memory_space<vmem>>
      %dma_wait3A_218 = tpu.memref_squeeze %dma_wait3A_217 : memref<1x80x64xf32, #tpu.memory_space<vmem>> -> memref<80x64xf32, #tpu.memory_space<vmem>>
      %dma_wait3A_219 = arith.constant 120 : i32
      %dma_wait3A_220 = tpu.memref_slice %arg9[%add3A_202, %dma_wait3A_219] : memref<128x200xi32, #tpu.memory_space<vmem>> -> memref<1x80xi32, #tpu.memory_space<vmem>>
      %dma_wait3A_221 = tpu.memref_squeeze %dma_wait3A_220 : memref<1x80xi32, #tpu.memory_space<vmem>> -> memref<80xi32, #tpu.memory_space<vmem>>
      %dma_wait3A_222 = arith.constant 0 : i32
      %dma_wait3A_223 = arith.constant 0 : i32
      %dma_wait3A_224 = tpu.memref_slice %arg3[%dma_wait3A_222, %dma_wait3A_223] : memref<1000000x64xf32, #tpu.memory_space<hbm>> -> memref<1000000x64xf32, #tpu.memory_space<hbm>>
      tpu.wait_indirect_dma semaphore(%arg5 : memref<!tpu.dma_semaphore, #tpu.memory_space<semaphore_mem>>) src(%dma_wait3A_224 : memref<1000000x64xf32, #tpu.memory_space<hbm>>) dst(%dma_wait3A_218 : memref<80x64xf32, #tpu.memory_space<vmem>>)
      %parallel_loop3A = arith.constant 0 : i32
      %parallel_loop3A_225 = arith.constant 200 : i32
      %parallel_loop3A_226 = arith.constant 1 : i32
      scf.for %parallel_loop3A_388 = %parallel_loop3A to %parallel_loop3A_225 step %parallel_loop3A_226  : i32 {
        %parallel_loop3A_389 = arith.constant 0 : i32
        %parallel_loop3A_390 = arith.index_cast %parallel_loop3A_389 : i32 to index
        %parallel_loop3A_391 = arith.index_cast %parallel_loop3A_388 : i32 to index
        %parallel_loop3A_392 = arith.constant 0 : index
        %parallel_loop3A_393 = tpu.vector_load %arg14[%parallel_loop3A_390, %parallel_loop3A_391, %parallel_loop3A_392] {strides = array<i32>} : memref<4x200x64xf32, #tpu.memory_space<vmem>>, vector<1x1x16xf32>,
        %parallel_loop3A_394 = vector.shape_cast %parallel_loop3A_393 : vector<1x1x16xf32> to vector<16xf32>
        %parallel_loop3A_395 = arith.constant 8.000000e+00 : f32
        %parallel_loop3A_396 = vector.broadcast %parallel_loop3A_395 : f32 to vector<16xf32>
        %parallel_loop3A_397 = arith.mulf %parallel_loop3A_394, %parallel_loop3A_396 : vector<16xf32>
        %parallel_loop3A_398 = arith.constant 0 : i32
        %parallel_loop3A_399 = arith.index_cast %parallel_loop3A_398 : i32 to index
        %parallel_loop3A_400 = arith.index_cast %parallel_loop3A_388 : i32 to index
        %parallel_loop3A_401 = arith.constant 0 : index
        %parallel_loop3A_402 = tpu.vector_load %arg14[%parallel_loop3A_399, %parallel_loop3A_400, %parallel_loop3A_401] {strides = array<i32>} : memref<4x200x64xf32, #tpu.memory_space<vmem>>, vector<1x1x16xf32>,
        %parallel_loop3A_403 = vector.shape_cast %parallel_loop3A_402 : vector<1x1x16xf32> to vector<16xf32>
        %parallel_loop3A_404 = vector.shape_cast %parallel_loop3A_397 : vector<16xf32> to vector<1x1x16xf32>
        tpu.vector_store %arg14[%parallel_loop3A_399, %parallel_loop3A_400, %parallel_loop3A_401], %parallel_loop3A_404 {strides = array<i32>} : memref<4x200x64xf32, #tpu.memory_space<vmem>>, vector<1x1x16xf32>,
        %parallel_loop3A_405 = arith.constant 0 : i32
        %parallel_loop3A_406 = arith.index_cast %parallel_loop3A_405 : i32 to index
        %parallel_loop3A_407 = arith.index_cast %parallel_loop3A_388 : i32 to index
        %parallel_loop3A_408 = arith.constant 16 : index
        %parallel_loop3A_409 = tpu.vector_load %arg14[%parallel_loop3A_406, %parallel_loop3A_407, %parallel_loop3A_408] {strides = array<i32>} : memref<4x200x64xf32, #tpu.memory_space<vmem>>, vector<1x1x16xf32>,
        %parallel_loop3A_410 = vector.shape_cast %parallel_loop3A_409 : vector<1x1x16xf32> to vector<16xf32>
        %parallel_loop3A_411 = arith.constant 8.000000e+00 : f32
        %parallel_loop3A_412 = vector.broadcast %parallel_loop3A_411 : f32 to vector<16xf32>
        %parallel_loop3A_413 = arith.mulf %parallel_loop3A_410, %parallel_loop3A_412 : vector<16xf32>
        %parallel_loop3A_414 = arith.constant 0 : i32
        %parallel_loop3A_415 = arith.index_cast %parallel_loop3A_414 : i32 to index
        %parallel_loop3A_416 = arith.index_cast %parallel_loop3A_388 : i32 to index
        %parallel_loop3A_417 = arith.constant 16 : index
        %parallel_loop3A_418 = tpu.vector_load %arg14[%parallel_loop3A_415, %parallel_loop3A_416, %parallel_loop3A_417] {strides = array<i32>} : memref<4x200x64xf32, #tpu.memory_space<vmem>>, vector<1x1x16xf32>,
        %parallel_loop3A_419 = vector.shape_cast %parallel_loop3A_418 : vector<1x1x16xf32> to vector<16xf32>
        %parallel_loop3A_420 = vector.shape_cast %parallel_loop3A_413 : vector<16xf32> to vector<1x1x16xf32>
        tpu.vector_store %arg14[%parallel_loop3A_415, %parallel_loop3A_416, %parallel_loop3A_417], %parallel_loop3A_420 {strides = array<i32>} : memref<4x200x64xf32, #tpu.memory_space<vmem>>, vector<1x1x16xf32>,
        %parallel_loop3A_421 = arith.constant 0 : i32
        %parallel_loop3A_422 = arith.index_cast %parallel_loop3A_421 : i32 to index
        %parallel_loop3A_423 = arith.index_cast %parallel_loop3A_388 : i32 to index
        %parallel_loop3A_424 = arith.constant 32 : index
        %parallel_loop3A_425 = tpu.vector_load %arg14[%parallel_loop3A_422, %parallel_loop3A_423, %parallel_loop3A_424] {strides = array<i32>} : memref<4x200x64xf32, #tpu.memory_space<vmem>>, vector<1x1x16xf32>,
        %parallel_loop3A_426 = vector.shape_cast %parallel_loop3A_425 : vector<1x1x16xf32> to vector<16xf32>
        %parallel_loop3A_427 = arith.constant 8.000000e+00 : f32
        %parallel_loop3A_428 = vector.broadcast %parallel_loop3A_427 : f32 to vector<16xf32>
        %parallel_loop3A_429 = arith.mulf %parallel_loop3A_426, %parallel_loop3A_428 : vector<16xf32>
        %parallel_loop3A_430 = arith.constant 0 : i32
        %parallel_loop3A_431 = arith.index_cast %parallel_loop3A_430 : i32 to index
        %parallel_loop3A_432 = arith.index_cast %parallel_loop3A_388 : i32 to index
        %parallel_loop3A_433 = arith.constant 32 : index
        %parallel_loop3A_434 = tpu.vector_load %arg14[%parallel_loop3A_431, %parallel_loop3A_432, %parallel_loop3A_433] {strides = array<i32>} : memref<4x200x64xf32, #tpu.memory_space<vmem>>, vector<1x1x16xf32>,
        %parallel_loop3A_435 = vector.shape_cast %parallel_loop3A_434 : vector<1x1x16xf32> to vector<16xf32>
        %parallel_loop3A_436 = vector.shape_cast %parallel_loop3A_429 : vector<16xf32> to vector<1x1x16xf32>
        tpu.vector_store %arg14[%parallel_loop3A_431, %parallel_loop3A_432, %parallel_loop3A_433], %parallel_loop3A_436 {strides = array<i32>} : memref<4x200x64xf32, #tpu.memory_space<vmem>>, vector<1x1x16xf32>,
        %parallel_loop3A_437 = arith.constant 0 : i32
        %parallel_loop3A_438 = arith.index_cast %parallel_loop3A_437 : i32 to index
        %parallel_loop3A_439 = arith.index_cast %parallel_loop3A_388 : i32 to index
        %parallel_loop3A_440 = arith.constant 48 : index
        %parallel_loop3A_441 = tpu.vector_load %arg14[%parallel_loop3A_438, %parallel_loop3A_439, %parallel_loop3A_440] {strides = array<i32>} : memref<4x200x64xf32, #tpu.memory_space<vmem>>, vector<1x1x16xf32>,
        %parallel_loop3A_442 = vector.shape_cast %parallel_loop3A_441 : vector<1x1x16xf32> to vector<16xf32>
        %parallel_loop3A_443 = arith.constant 8.000000e+00 : f32
        %parallel_loop3A_444 = vector.broadcast %parallel_loop3A_443 : f32 to vector<16xf32>
        %parallel_loop3A_445 = arith.mulf %parallel_loop3A_442, %parallel_loop3A_444 : vector<16xf32>
        %parallel_loop3A_446 = arith.constant 0 : i32
        %parallel_loop3A_447 = arith.index_cast %parallel_loop3A_446 : i32 to index
        %parallel_loop3A_448 = arith.index_cast %parallel_loop3A_388 : i32 to index
        %parallel_loop3A_449 = arith.constant 48 : index
        %parallel_loop3A_450 = tpu.vector_load %arg14[%parallel_loop3A_447, %parallel_loop3A_448, %parallel_loop3A_449] {strides = array<i32>} : memref<4x200x64xf32, #tpu.memory_space<vmem>>, vector<1x1x16xf32>,
        %parallel_loop3A_451 = vector.shape_cast %parallel_loop3A_450 : vector<1x1x16xf32> to vector<16xf32>
        %parallel_loop3A_452 = vector.shape_cast %parallel_loop3A_445 : vector<16xf32> to vector<1x1x16xf32>
        tpu.vector_store %arg14[%parallel_loop3A_447, %parallel_loop3A_448, %parallel_loop3A_449], %parallel_loop3A_452 {strides = array<i32>} : memref<4x200x64xf32, #tpu.memory_space<vmem>>, vector<1x1x16xf32>,
      } {sc.loop_unroll_factor = 4 : i64, sc.parallel_access}
      %add3A_227 = arith.constant 0 : i32
      %add3A_228 = arith.addi %mul3A_183, %add3A_227 : i32
      %add3A_229 = arith.addi %mul3A_2, %add3A_228 : i32
      %dma_start3A_230 = arith.constant 0 : i32
      %dma_start3A_231 = arith.constant 0 : i32
      %dma_start3A_232 = arith.constant 0 : i32
      %dma_start3A_233 = tpu.memref_slice %arg14[%dma_start3A_230, %dma_start3A_231, %dma_start3A_232] : memref<4x200x64xf32, #tpu.memory_space<vmem>> -> memref<1x200x64xf32, #tpu.memory_space<vmem>>
      %dma_start3A_234 = tpu.memref_squeeze %dma_start3A_233 : memref<1x200x64xf32, #tpu.memory_space<vmem>> -> memref<200x64xf32, #tpu.memory_space<vmem>>
      %dma_start3A_235 = arith.constant 0 : i32
      %dma_start3A_236 = arith.constant 0 : i32
      %dma_start3A_237 = tpu.memref_slice %arg4[%add3A_229, %dma_start3A_235, %dma_start3A_236] : memref<4096x200x64xf32, #tpu.memory_space<hbm>> -> memref<1x200x64xf32, #tpu.memory_space<hbm>>
      %dma_start3A_238 = tpu.memref_squeeze %dma_start3A_237 : memref<1x200x64xf32, #tpu.memory_space<hbm>> -> memref<200x64xf32, #tpu.memory_space<hbm>>
      %dma_start3A_239 = arith.constant 0 : i32
      %dma_start3A_240 = arith.constant 0 : i32
      %dma_start3A_241 = tpu.memref_slice %arg4[%add3A_229, %dma_start3A_239, %dma_start3A_240] : memref<4096x200x64xf32, #tpu.memory_space<hbm>> -> memref<1x200x64xf32, #tpu.memory_space<hbm>>
      %dma_start3A_242 = tpu.memref_squeeze %dma_start3A_241 : memref<1x200x64xf32, #tpu.memory_space<hbm>> -> memref<200x64xf32, #tpu.memory_space<hbm>>
      %dma_start3A_243 = arith.constant 0 : i32
      %dma_start3A_244 = arith.constant 0 : i32
      %dma_start3A_245 = tpu.memref_slice %arg14[%dma_start3A_230, %dma_start3A_243, %dma_start3A_244] : memref<4x200x64xf32, #tpu.memory_space<vmem>> -> memref<1x200x64xf32, #tpu.memory_space<vmem>>
      %dma_start3A_246 = tpu.memref_squeeze %dma_start3A_245 : memref<1x200x64xf32, #tpu.memory_space<vmem>> -> memref<200x64xf32, #tpu.memory_space<vmem>>
      tpu.enqueue_dma source(%dma_start3A_246 : memref<200x64xf32, #tpu.memory_space<vmem>>) target(%dma_start3A_242 : memref<200x64xf32, #tpu.memory_space<hbm>>) target_semaphore(%arg10 : memref<!tpu.dma_semaphore, #tpu.memory_space<semaphore_mem>>)
      %add3A_247 = arith.constant 1 : i32
      %add3A_248 = arith.addi %mul3A_183, %add3A_247 : i32
      %dma_wait3A_249 = arith.constant 1 : i32
      %dma_wait3A_250 = arith.constant 0 : i32
      %dma_wait3A_251 = arith.constant 0 : i32
      %dma_wait3A_252 = tpu.memref_slice %arg14[%dma_wait3A_249, %dma_wait3A_250, %dma_wait3A_251] : memref<4x200x64xf32, #tpu.memory_space<vmem>> -> memref<1x120x64xf32, #tpu.memory_space<vmem>>
      %dma_wait3A_253 = tpu.memref_squeeze %dma_wait3A_252 : memref<1x120x64xf32, #tpu.memory_space<vmem>> -> memref<120x64xf32, #tpu.memory_space<vmem>>
      %dma_wait3A_254 = arith.constant 0 : i32
      %dma_wait3A_255 = tpu.memref_slice %arg9[%add3A_248, %dma_wait3A_254] : memref<128x200xi32, #tpu.memory_space<vmem>> -> memref<1x120xi32, #tpu.memory_space<vmem>>
      %dma_wait3A_256 = tpu.memref_squeeze %dma_wait3A_255 : memref<1x120xi32, #tpu.memory_space<vmem>> -> memref<120xi32, #tpu.memory_space<vmem>>
      %dma_wait3A_257 = arith.constant 0 : i32
      %dma_wait3A_258 = arith.constant 0 : i32
      %dma_wait3A_259 = tpu.memref_slice %arg3[%dma_wait3A_257, %dma_wait3A_258] : memref<1000000x64xf32, #tpu.memory_space<hbm>> -> memref<1000000x64xf32, #tpu.memory_space<hbm>>
      tpu.wait_indirect_dma semaphore(%arg6 : memref<!tpu.dma_semaphore, #tpu.memory_space<semaphore_mem>>) src(%dma_wait3A_259 : memref<1000000x64xf32, #tpu.memory_space<hbm>>) dst(%dma_wait3A_253 : memref<120x64xf32, #tpu.memory_space<vmem>>)
      %dma_wait3A_260 = arith.constant 1 : i32
      %dma_wait3A_261 = arith.constant 120 : i32
      %dma_wait3A_262 = arith.constant 0 : i32
      %dma_wait3A_263 = tpu.memref_slice %arg14[%dma_wait3A_260, %dma_wait3A_261, %dma_wait3A_262] : memref<4x200x64xf32, #tpu.memory_space<vmem>> -> memref<1x80x64xf32, #tpu.memory_space<vmem>>
      %dma_wait3A_264 = tpu.memref_squeeze %dma_wait3A_263 : memref<1x80x64xf32, #tpu.memory_space<vmem>> -> memref<80x64xf32, #tpu.memory_space<vmem>>
      %dma_wait3A_265 = arith.constant 120 : i32
      %dma_wait3A_266 = tpu.memref_slice %arg9[%add3A_248, %dma_wait3A_265] : memref<128x200xi32, #tpu.memory_space<vmem>> -> memref<1x80xi32, #tpu.memory_space<vmem>>
      %dma_wait3A_267 = tpu.memref_squeeze %dma_wait3A_266 : memref<1x80xi32, #tpu.memory_space<vmem>> -> memref<80xi32, #tpu.memory_space<vmem>>
      %dma_wait3A_268 = arith.constant 0 : i32
      %dma_wait3A_269 = arith.constant 0 : i32
      %dma_wait3A_270 = tpu.memref_slice %arg3[%dma_wait3A_268, %dma_wait3A_269] : memref<1000000x64xf32, #tpu.memory_space<hbm>> -> memref<1000000x64xf32, #tpu.memory_space<hbm>>
      tpu.wait_indirect_dma semaphore(%arg6 : memref<!tpu.dma_semaphore, #tpu.memory_space<semaphore_mem>>) src(%dma_wait3A_270 : memref<1000000x64xf32, #tpu.memory_space<hbm>>) dst(%dma_wait3A_264 : memref<80x64xf32, #tpu.memory_space<vmem>>)
      %parallel_loop3A_271 = arith.constant 0 : i32
      %parallel_loop3A_272 = arith.constant 200 : i32
      %parallel_loop3A_273 = arith.constant 1 : i32
      scf.for %parallel_loop3A_388 = %parallel_loop3A_271 to %parallel_loop3A_272 step %parallel_loop3A_273  : i32 {
        %parallel_loop3A_389 = arith.constant 1 : i32
        %parallel_loop3A_390 = arith.index_cast %parallel_loop3A_389 : i32 to index
        %parallel_loop3A_391 = arith.index_cast %parallel_loop3A_388 : i32 to index
        %parallel_loop3A_392 = arith.constant 0 : index
        %parallel_loop3A_393 = tpu.vector_load %arg14[%parallel_loop3A_390, %parallel_loop3A_391, %parallel_loop3A_392] {strides = array<i32>} : memref<4x200x64xf32, #tpu.memory_space<vmem>>, vector<1x1x16xf32>,
        %parallel_loop3A_394 = vector.shape_cast %parallel_loop3A_393 : vector<1x1x16xf32> to vector<16xf32>
        %parallel_loop3A_395 = arith.constant 8.000000e+00 : f32
        %parallel_loop3A_396 = vector.broadcast %parallel_loop3A_395 : f32 to vector<16xf32>
        %parallel_loop3A_397 = arith.mulf %parallel_loop3A_394, %parallel_loop3A_396 : vector<16xf32>
        %parallel_loop3A_398 = arith.constant 1 : i32
        %parallel_loop3A_399 = arith.index_cast %parallel_loop3A_398 : i32 to index
        %parallel_loop3A_400 = arith.index_cast %parallel_loop3A_388 : i32 to index
        %parallel_loop3A_401 = arith.constant 0 : index
        %parallel_loop3A_402 = tpu.vector_load %arg14[%parallel_loop3A_399, %parallel_loop3A_400, %parallel_loop3A_401] {strides = array<i32>} : memref<4x200x64xf32, #tpu.memory_space<vmem>>, vector<1x1x16xf32>,
        %parallel_loop3A_403 = vector.shape_cast %parallel_loop3A_402 : vector<1x1x16xf32> to vector<16xf32>
        %parallel_loop3A_404 = vector.shape_cast %parallel_loop3A_397 : vector<16xf32> to vector<1x1x16xf32>
        tpu.vector_store %arg14[%parallel_loop3A_399, %parallel_loop3A_400, %parallel_loop3A_401], %parallel_loop3A_404 {strides = array<i32>} : memref<4x200x64xf32, #tpu.memory_space<vmem>>, vector<1x1x16xf32>,
        %parallel_loop3A_405 = arith.constant 1 : i32
        %parallel_loop3A_406 = arith.index_cast %parallel_loop3A_405 : i32 to index
        %parallel_loop3A_407 = arith.index_cast %parallel_loop3A_388 : i32 to index
        %parallel_loop3A_408 = arith.constant 16 : index
        %parallel_loop3A_409 = tpu.vector_load %arg14[%parallel_loop3A_406, %parallel_loop3A_407, %parallel_loop3A_408] {strides = array<i32>} : memref<4x200x64xf32, #tpu.memory_space<vmem>>, vector<1x1x16xf32>,
        %parallel_loop3A_410 = vector.shape_cast %parallel_loop3A_409 : vector<1x1x16xf32> to vector<16xf32>
        %parallel_loop3A_411 = arith.constant 8.000000e+00 : f32
        %parallel_loop3A_412 = vector.broadcast %parallel_loop3A_411 : f32 to vector<16xf32>
        %parallel_loop3A_413 = arith.mulf %parallel_loop3A_410, %parallel_loop3A_412 : vector<16xf32>
        %parallel_loop3A_414 = arith.constant 1 : i32
        %parallel_loop3A_415 = arith.index_cast %parallel_loop3A_414 : i32 to index
        %parallel_loop3A_416 = arith.index_cast %parallel_loop3A_388 : i32 to index
        %parallel_loop3A_417 = arith.constant 16 : index
        %parallel_loop3A_418 = tpu.vector_load %arg14[%parallel_loop3A_415, %parallel_loop3A_416, %parallel_loop3A_417] {strides = array<i32>} : memref<4x200x64xf32, #tpu.memory_space<vmem>>, vector<1x1x16xf32>,
        %parallel_loop3A_419 = vector.shape_cast %parallel_loop3A_418 : vector<1x1x16xf32> to vector<16xf32>
        %parallel_loop3A_420 = vector.shape_cast %parallel_loop3A_413 : vector<16xf32> to vector<1x1x16xf32>
        tpu.vector_store %arg14[%parallel_loop3A_415, %parallel_loop3A_416, %parallel_loop3A_417], %parallel_loop3A_420 {strides = array<i32>} : memref<4x200x64xf32, #tpu.memory_space<vmem>>, vector<1x1x16xf32>,
        %parallel_loop3A_421 = arith.constant 1 : i32
        %parallel_loop3A_422 = arith.index_cast %parallel_loop3A_421 : i32 to index
        %parallel_loop3A_423 = arith.index_cast %parallel_loop3A_388 : i32 to index
        %parallel_loop3A_424 = arith.constant 32 : index
        %parallel_loop3A_425 = tpu.vector_load %arg14[%parallel_loop3A_422, %parallel_loop3A_423, %parallel_loop3A_424] {strides = array<i32>} : memref<4x200x64xf32, #tpu.memory_space<vmem>>, vector<1x1x16xf32>,
        %parallel_loop3A_426 = vector.shape_cast %parallel_loop3A_425 : vector<1x1x16xf32> to vector<16xf32>
        %parallel_loop3A_427 = arith.constant 8.000000e+00 : f32
        %parallel_loop3A_428 = vector.broadcast %parallel_loop3A_427 : f32 to vector<16xf32>
        %parallel_loop3A_429 = arith.mulf %parallel_loop3A_426, %parallel_loop3A_428 : vector<16xf32>
        %parallel_loop3A_430 = arith.constant 1 : i32
        %parallel_loop3A_431 = arith.index_cast %parallel_loop3A_430 : i32 to index
        %parallel_loop3A_432 = arith.index_cast %parallel_loop3A_388 : i32 to index
        %parallel_loop3A_433 = arith.constant 32 : index
        %parallel_loop3A_434 = tpu.vector_load %arg14[%parallel_loop3A_431, %parallel_loop3A_432, %parallel_loop3A_433] {strides = array<i32>} : memref<4x200x64xf32, #tpu.memory_space<vmem>>, vector<1x1x16xf32>,
        %parallel_loop3A_435 = vector.shape_cast %parallel_loop3A_434 : vector<1x1x16xf32> to vector<16xf32>
        %parallel_loop3A_436 = vector.shape_cast %parallel_loop3A_429 : vector<16xf32> to vector<1x1x16xf32>
        tpu.vector_store %arg14[%parallel_loop3A_431, %parallel_loop3A_432, %parallel_loop3A_433], %parallel_loop3A_436 {strides = array<i32>} : memref<4x200x64xf32, #tpu.memory_space<vmem>>, vector<1x1x16xf32>,
        %parallel_loop3A_437 = arith.constant 1 : i32
        %parallel_loop3A_438 = arith.index_cast %parallel_loop3A_437 : i32 to index
        %parallel_loop3A_439 = arith.index_cast %parallel_loop3A_388 : i32 to index
        %parallel_loop3A_440 = arith.constant 48 : index
        %parallel_loop3A_441 = tpu.vector_load %arg14[%parallel_loop3A_438, %parallel_loop3A_439, %parallel_loop3A_440] {strides = array<i32>} : memref<4x200x64xf32, #tpu.memory_space<vmem>>, vector<1x1x16xf32>,
        %parallel_loop3A_442 = vector.shape_cast %parallel_loop3A_441 : vector<1x1x16xf32> to vector<16xf32>
        %parallel_loop3A_443 = arith.constant 8.000000e+00 : f32
        %parallel_loop3A_444 = vector.broadcast %parallel_loop3A_443 : f32 to vector<16xf32>
        %parallel_loop3A_445 = arith.mulf %parallel_loop3A_442, %parallel_loop3A_444 : vector<16xf32>
        %parallel_loop3A_446 = arith.constant 1 : i32
        %parallel_loop3A_447 = arith.index_cast %parallel_loop3A_446 : i32 to index
        %parallel_loop3A_448 = arith.index_cast %parallel_loop3A_388 : i32 to index
        %parallel_loop3A_449 = arith.constant 48 : index
        %parallel_loop3A_450 = tpu.vector_load %arg14[%parallel_loop3A_447, %parallel_loop3A_448, %parallel_loop3A_449] {strides = array<i32>} : memref<4x200x64xf32, #tpu.memory_space<vmem>>, vector<1x1x16xf32>,
        %parallel_loop3A_451 = vector.shape_cast %parallel_loop3A_450 : vector<1x1x16xf32> to vector<16xf32>
        %parallel_loop3A_452 = vector.shape_cast %parallel_loop3A_445 : vector<16xf32> to vector<1x1x16xf32>
        tpu.vector_store %arg14[%parallel_loop3A_447, %parallel_loop3A_448, %parallel_loop3A_449], %parallel_loop3A_452 {strides = array<i32>} : memref<4x200x64xf32, #tpu.memory_space<vmem>>, vector<1x1x16xf32>,
      } {sc.loop_unroll_factor = 4 : i64, sc.parallel_access}
      %add3A_274 = arith.constant 1 : i32
      %add3A_275 = arith.addi %mul3A_183, %add3A_274 : i32
      %add3A_276 = arith.addi %mul3A_2, %add3A_275 : i32
      %dma_start3A_277 = arith.constant 1 : i32
      %dma_start3A_278 = arith.constant 0 : i32
      %dma_start3A_279 = arith.constant 0 : i32
      %dma_start3A_280 = tpu.memref_slice %arg14[%dma_start3A_277, %dma_start3A_278, %dma_start3A_279] : memref<4x200x64xf32, #tpu.memory_space<vmem>> -> memref<1x200x64xf32, #tpu.memory_space<vmem>>
      %dma_start3A_281 = tpu.memref_squeeze %dma_start3A_280 : memref<1x200x64xf32, #tpu.memory_space<vmem>> -> memref<200x64xf32, #tpu.memory_space<vmem>>
      %dma_start3A_282 = arith.constant 0 : i32
      %dma_start3A_283 = arith.constant 0 : i32
      %dma_start3A_284 = tpu.memref_slice %arg4[%add3A_276, %dma_start3A_282, %dma_start3A_283] : memref<4096x200x64xf32, #tpu.memory_space<hbm>> -> memref<1x200x64xf32, #tpu.memory_space<hbm>>
      %dma_start3A_285 = tpu.memref_squeeze %dma_start3A_284 : memref<1x200x64xf32, #tpu.memory_space<hbm>> -> memref<200x64xf32, #tpu.memory_space<hbm>>
      %dma_start3A_286 = arith.constant 0 : i32
      %dma_start3A_287 = arith.constant 0 : i32
      %dma_start3A_288 = tpu.memref_slice %arg4[%add3A_276, %dma_start3A_286, %dma_start3A_287] : memref<4096x200x64xf32, #tpu.memory_space<hbm>> -> memref<1x200x64xf32, #tpu.memory_space<hbm>>
      %dma_start3A_289 = tpu.memref_squeeze %dma_start3A_288 : memref<1x200x64xf32, #tpu.memory_space<hbm>> -> memref<200x64xf32, #tpu.memory_space<hbm>>
      %dma_start3A_290 = arith.constant 0 : i32
      %dma_start3A_291 = arith.constant 0 : i32
      %dma_start3A_292 = tpu.memref_slice %arg14[%dma_start3A_277, %dma_start3A_290, %dma_start3A_291] : memref<4x200x64xf32, #tpu.memory_space<vmem>> -> memref<1x200x64xf32, #tpu.memory_space<vmem>>
      %dma_start3A_293 = tpu.memref_squeeze %dma_start3A_292 : memref<1x200x64xf32, #tpu.memory_space<vmem>> -> memref<200x64xf32, #tpu.memory_space<vmem>>
      tpu.enqueue_dma source(%dma_start3A_293 : memref<200x64xf32, #tpu.memory_space<vmem>>) target(%dma_start3A_289 : memref<200x64xf32, #tpu.memory_space<hbm>>) target_semaphore(%arg11 : memref<!tpu.dma_semaphore, #tpu.memory_space<semaphore_mem>>)
      %add3A_294 = arith.constant 2 : i32
      %add3A_295 = arith.addi %mul3A_183, %add3A_294 : i32
      %dma_wait3A_296 = arith.constant 2 : i32
      %dma_wait3A_297 = arith.constant 0 : i32
      %dma_wait3A_298 = arith.constant 0 : i32
      %dma_wait3A_299 = tpu.memref_slice %arg14[%dma_wait3A_296, %dma_wait3A_297, %dma_wait3A_298] : memref<4x200x64xf32, #tpu.memory_space<vmem>> -> memref<1x120x64xf32, #tpu.memory_space<vmem>>
      %dma_wait3A_300 = tpu.memref_squeeze %dma_wait3A_299 : memref<1x120x64xf32, #tpu.memory_space<vmem>> -> memref<120x64xf32, #tpu.memory_space<vmem>>
      %dma_wait3A_301 = arith.constant 0 : i32
      %dma_wait3A_302 = tpu.memref_slice %arg9[%add3A_295, %dma_wait3A_301] : memref<128x200xi32, #tpu.memory_space<vmem>> -> memref<1x120xi32, #tpu.memory_space<vmem>>
      %dma_wait3A_303 = tpu.memref_squeeze %dma_wait3A_302 : memref<1x120xi32, #tpu.memory_space<vmem>> -> memref<120xi32, #tpu.memory_space<vmem>>
      %dma_wait3A_304 = arith.constant 0 : i32
      %dma_wait3A_305 = arith.constant 0 : i32
      %dma_wait3A_306 = tpu.memref_slice %arg3[%dma_wait3A_304, %dma_wait3A_305] : memref<1000000x64xf32, #tpu.memory_space<hbm>> -> memref<1000000x64xf32, #tpu.memory_space<hbm>>
      tpu.wait_indirect_dma semaphore(%arg7 : memref<!tpu.dma_semaphore, #tpu.memory_space<semaphore_mem>>) src(%dma_wait3A_306 : memref<1000000x64xf32, #tpu.memory_space<hbm>>) dst(%dma_wait3A_300 : memref<120x64xf32, #tpu.memory_space<vmem>>)
      %dma_wait3A_307 = arith.constant 2 : i32
      %dma_wait3A_308 = arith.constant 120 : i32
      %dma_wait3A_309 = arith.constant 0 : i32
      %dma_wait3A_310 = tpu.memref_slice %arg14[%dma_wait3A_307, %dma_wait3A_308, %dma_wait3A_309] : memref<4x200x64xf32, #tpu.memory_space<vmem>> -> memref<1x80x64xf32, #tpu.memory_space<vmem>>
      %dma_wait3A_311 = tpu.memref_squeeze %dma_wait3A_310 : memref<1x80x64xf32, #tpu.memory_space<vmem>> -> memref<80x64xf32, #tpu.memory_space<vmem>>
      %dma_wait3A_312 = arith.constant 120 : i32
      %dma_wait3A_313 = tpu.memref_slice %arg9[%add3A_295, %dma_wait3A_312] : memref<128x200xi32, #tpu.memory_space<vmem>> -> memref<1x80xi32, #tpu.memory_space<vmem>>
      %dma_wait3A_314 = tpu.memref_squeeze %dma_wait3A_313 : memref<1x80xi32, #tpu.memory_space<vmem>> -> memref<80xi32, #tpu.memory_space<vmem>>
      %dma_wait3A_315 = arith.constant 0 : i32
      %dma_wait3A_316 = arith.constant 0 : i32
      %dma_wait3A_317 = tpu.memref_slice %arg3[%dma_wait3A_315, %dma_wait3A_316] : memref<1000000x64xf32, #tpu.memory_space<hbm>> -> memref<1000000x64xf32, #tpu.memory_space<hbm>>
      tpu.wait_indirect_dma semaphore(%arg7 : memref<!tpu.dma_semaphore, #tpu.memory_space<semaphore_mem>>) src(%dma_wait3A_317 : memref<1000000x64xf32, #tpu.memory_space<hbm>>) dst(%dma_wait3A_311 : memref<80x64xf32, #tpu.memory_space<vmem>>)
      %parallel_loop3A_318 = arith.constant 0 : i32
      %parallel_loop3A_319 = arith.constant 200 : i32
      %parallel_loop3A_320 = arith.constant 1 : i32
      scf.for %parallel_loop3A_388 = %parallel_loop3A_318 to %parallel_loop3A_319 step %parallel_loop3A_320  : i32 {
        %parallel_loop3A_389 = arith.constant 2 : i32
        %parallel_loop3A_390 = arith.index_cast %parallel_loop3A_389 : i32 to index
        %parallel_loop3A_391 = arith.index_cast %parallel_loop3A_388 : i32 to index
        %parallel_loop3A_392 = arith.constant 0 : index
        %parallel_loop3A_393 = tpu.vector_load %arg14[%parallel_loop3A_390, %parallel_loop3A_391, %parallel_loop3A_392] {strides = array<i32>} : memref<4x200x64xf32, #tpu.memory_space<vmem>>, vector<1x1x16xf32>,
        %parallel_loop3A_394 = vector.shape_cast %parallel_loop3A_393 : vector<1x1x16xf32> to vector<16xf32>
        %parallel_loop3A_395 = arith.constant 8.000000e+00 : f32
        %parallel_loop3A_396 = vector.broadcast %parallel_loop3A_395 : f32 to vector<16xf32>
        %parallel_loop3A_397 = arith.mulf %parallel_loop3A_394, %parallel_loop3A_396 : vector<16xf32>
        %parallel_loop3A_398 = arith.constant 2 : i32
        %parallel_loop3A_399 = arith.index_cast %parallel_loop3A_398 : i32 to index
        %parallel_loop3A_400 = arith.index_cast %parallel_loop3A_388 : i32 to index
        %parallel_loop3A_401 = arith.constant 0 : index
        %parallel_loop3A_402 = tpu.vector_load %arg14[%parallel_loop3A_399, %parallel_loop3A_400, %parallel_loop3A_401] {strides = array<i32>} : memref<4x200x64xf32, #tpu.memory_space<vmem>>, vector<1x1x16xf32>,
        %parallel_loop3A_403 = vector.shape_cast %parallel_loop3A_402 : vector<1x1x16xf32> to vector<16xf32>
        %parallel_loop3A_404 = vector.shape_cast %parallel_loop3A_397 : vector<16xf32> to vector<1x1x16xf32>
        tpu.vector_store %arg14[%parallel_loop3A_399, %parallel_loop3A_400, %parallel_loop3A_401], %parallel_loop3A_404 {strides = array<i32>} : memref<4x200x64xf32, #tpu.memory_space<vmem>>, vector<1x1x16xf32>,
        %parallel_loop3A_405 = arith.constant 2 : i32
        %parallel_loop3A_406 = arith.index_cast %parallel_loop3A_405 : i32 to index
        %parallel_loop3A_407 = arith.index_cast %parallel_loop3A_388 : i32 to index
        %parallel_loop3A_408 = arith.constant 16 : index
        %parallel_loop3A_409 = tpu.vector_load %arg14[%parallel_loop3A_406, %parallel_loop3A_407, %parallel_loop3A_408] {strides = array<i32>} : memref<4x200x64xf32, #tpu.memory_space<vmem>>, vector<1x1x16xf32>,
        %parallel_loop3A_410 = vector.shape_cast %parallel_loop3A_409 : vector<1x1x16xf32> to vector<16xf32>
        %parallel_loop3A_411 = arith.constant 8.000000e+00 : f32
        %parallel_loop3A_412 = vector.broadcast %parallel_loop3A_411 : f32 to vector<16xf32>
        %parallel_loop3A_413 = arith.mulf %parallel_loop3A_410, %parallel_loop3A_412 : vector<16xf32>
        %parallel_loop3A_414 = arith.constant 2 : i32
        %parallel_loop3A_415 = arith.index_cast %parallel_loop3A_414 : i32 to index
        %parallel_loop3A_416 = arith.index_cast %parallel_loop3A_388 : i32 to index
        %parallel_loop3A_417 = arith.constant 16 : index
        %parallel_loop3A_418 = tpu.vector_load %arg14[%parallel_loop3A_415, %parallel_loop3A_416, %parallel_loop3A_417] {strides = array<i32>} : memref<4x200x64xf32, #tpu.memory_space<vmem>>, vector<1x1x16xf32>,
        %parallel_loop3A_419 = vector.shape_cast %parallel_loop3A_418 : vector<1x1x16xf32> to vector<16xf32>
        %parallel_loop3A_420 = vector.shape_cast %parallel_loop3A_413 : vector<16xf32> to vector<1x1x16xf32>
        tpu.vector_store %arg14[%parallel_loop3A_415, %parallel_loop3A_416, %parallel_loop3A_417], %parallel_loop3A_420 {strides = array<i32>} : memref<4x200x64xf32, #tpu.memory_space<vmem>>, vector<1x1x16xf32>,
        %parallel_loop3A_421 = arith.constant 2 : i32
        %parallel_loop3A_422 = arith.index_cast %parallel_loop3A_421 : i32 to index
        %parallel_loop3A_423 = arith.index_cast %parallel_loop3A_388 : i32 to index
        %parallel_loop3A_424 = arith.constant 32 : index
        %parallel_loop3A_425 = tpu.vector_load %arg14[%parallel_loop3A_422, %parallel_loop3A_423, %parallel_loop3A_424] {strides = array<i32>} : memref<4x200x64xf32, #tpu.memory_space<vmem>>, vector<1x1x16xf32>,
        %parallel_loop3A_426 = vector.shape_cast %parallel_loop3A_425 : vector<1x1x16xf32> to vector<16xf32>
        %parallel_loop3A_427 = arith.constant 8.000000e+00 : f32
        %parallel_loop3A_428 = vector.broadcast %parallel_loop3A_427 : f32 to vector<16xf32>
        %parallel_loop3A_429 = arith.mulf %parallel_loop3A_426, %parallel_loop3A_428 : vector<16xf32>
        %parallel_loop3A_430 = arith.constant 2 : i32
        %parallel_loop3A_431 = arith.index_cast %parallel_loop3A_430 : i32 to index
        %parallel_loop3A_432 = arith.index_cast %parallel_loop3A_388 : i32 to index
        %parallel_loop3A_433 = arith.constant 32 : index
        %parallel_loop3A_434 = tpu.vector_load %arg14[%parallel_loop3A_431, %parallel_loop3A_432, %parallel_loop3A_433] {strides = array<i32>} : memref<4x200x64xf32, #tpu.memory_space<vmem>>, vector<1x1x16xf32>,
        %parallel_loop3A_435 = vector.shape_cast %parallel_loop3A_434 : vector<1x1x16xf32> to vector<16xf32>
        %parallel_loop3A_436 = vector.shape_cast %parallel_loop3A_429 : vector<16xf32> to vector<1x1x16xf32>
        tpu.vector_store %arg14[%parallel_loop3A_431, %parallel_loop3A_432, %parallel_loop3A_433], %parallel_loop3A_436 {strides = array<i32>} : memref<4x200x64xf32, #tpu.memory_space<vmem>>, vector<1x1x16xf32>,
        %parallel_loop3A_437 = arith.constant 2 : i32
        %parallel_loop3A_438 = arith.index_cast %parallel_loop3A_437 : i32 to index
        %parallel_loop3A_439 = arith.index_cast %parallel_loop3A_388 : i32 to index
        %parallel_loop3A_440 = arith.constant 48 : index
        %parallel_loop3A_441 = tpu.vector_load %arg14[%parallel_loop3A_438, %parallel_loop3A_439, %parallel_loop3A_440] {strides = array<i32>} : memref<4x200x64xf32, #tpu.memory_space<vmem>>, vector<1x1x16xf32>,
        %parallel_loop3A_442 = vector.shape_cast %parallel_loop3A_441 : vector<1x1x16xf32> to vector<16xf32>
        %parallel_loop3A_443 = arith.constant 8.000000e+00 : f32
        %parallel_loop3A_444 = vector.broadcast %parallel_loop3A_443 : f32 to vector<16xf32>
        %parallel_loop3A_445 = arith.mulf %parallel_loop3A_442, %parallel_loop3A_444 : vector<16xf32>
        %parallel_loop3A_446 = arith.constant 2 : i32
        %parallel_loop3A_447 = arith.index_cast %parallel_loop3A_446 : i32 to index
        %parallel_loop3A_448 = arith.index_cast %parallel_loop3A_388 : i32 to index
        %parallel_loop3A_449 = arith.constant 48 : index
        %parallel_loop3A_450 = tpu.vector_load %arg14[%parallel_loop3A_447, %parallel_loop3A_448, %parallel_loop3A_449] {strides = array<i32>} : memref<4x200x64xf32, #tpu.memory_space<vmem>>, vector<1x1x16xf32>,
        %parallel_loop3A_451 = vector.shape_cast %parallel_loop3A_450 : vector<1x1x16xf32> to vector<16xf32>
        %parallel_loop3A_452 = vector.shape_cast %parallel_loop3A_445 : vector<16xf32> to vector<1x1x16xf32>
        tpu.vector_store %arg14[%parallel_loop3A_447, %parallel_loop3A_448, %parallel_loop3A_449], %parallel_loop3A_452 {strides = array<i32>} : memref<4x200x64xf32, #tpu.memory_space<vmem>>, vector<1x1x16xf32>,
      } {sc.loop_unroll_factor = 4 : i64, sc.parallel_access}
      %add3A_321 = arith.constant 2 : i32
      %add3A_322 = arith.addi %mul3A_183, %add3A_321 : i32
      %add3A_323 = arith.addi %mul3A_2, %add3A_322 : i32
      %dma_start3A_324 = arith.constant 2 : i32
      %dma_start3A_325 = arith.constant 0 : i32
      %dma_start3A_326 = arith.constant 0 : i32
      %dma_start3A_327 = tpu.memref_slice %arg14[%dma_start3A_324, %dma_start3A_325, %dma_start3A_326] : memref<4x200x64xf32, #tpu.memory_space<vmem>> -> memref<1x200x64xf32, #tpu.memory_space<vmem>>
      %dma_start3A_328 = tpu.memref_squeeze %dma_start3A_327 : memref<1x200x64xf32, #tpu.memory_space<vmem>> -> memref<200x64xf32, #tpu.memory_space<vmem>>
      %dma_start3A_329 = arith.constant 0 : i32
      %dma_start3A_330 = arith.constant 0 : i32
      %dma_start3A_331 = tpu.memref_slice %arg4[%add3A_323, %dma_start3A_329, %dma_start3A_330] : memref<4096x200x64xf32, #tpu.memory_space<hbm>> -> memref<1x200x64xf32, #tpu.memory_space<hbm>>
      %dma_start3A_332 = tpu.memref_squeeze %dma_start3A_331 : memref<1x200x64xf32, #tpu.memory_space<hbm>> -> memref<200x64xf32, #tpu.memory_space<hbm>>
      %dma_start3A_333 = arith.constant 0 : i32
      %dma_start3A_334 = arith.constant 0 : i32
      %dma_start3A_335 = tpu.memref_slice %arg4[%add3A_323, %dma_start3A_333, %dma_start3A_334] : memref<4096x200x64xf32, #tpu.memory_space<hbm>> -> memref<1x200x64xf32, #tpu.memory_space<hbm>>
      %dma_start3A_336 = tpu.memref_squeeze %dma_start3A_335 : memref<1x200x64xf32, #tpu.memory_space<hbm>> -> memref<200x64xf32, #tpu.memory_space<hbm>>
      %dma_start3A_337 = arith.constant 0 : i32
      %dma_start3A_338 = arith.constant 0 : i32
      %dma_start3A_339 = tpu.memref_slice %arg14[%dma_start3A_324, %dma_start3A_337, %dma_start3A_338] : memref<4x200x64xf32, #tpu.memory_space<vmem>> -> memref<1x200x64xf32, #tpu.memory_space<vmem>>
      %dma_start3A_340 = tpu.memref_squeeze %dma_start3A_339 : memref<1x200x64xf32, #tpu.memory_space<vmem>> -> memref<200x64xf32, #tpu.memory_space<vmem>>
      tpu.enqueue_dma source(%dma_start3A_340 : memref<200x64xf32, #tpu.memory_space<vmem>>) target(%dma_start3A_336 : memref<200x64xf32, #tpu.memory_space<hbm>>) target_semaphore(%arg12 : memref<!tpu.dma_semaphore, #tpu.memory_space<semaphore_mem>>)
      %add3A_341 = arith.constant 3 : i32
      %add3A_342 = arith.addi %mul3A_183, %add3A_341 : i32
      %dma_wait3A_343 = arith.constant 3 : i32
      %dma_wait3A_344 = arith.constant 0 : i32
      %dma_wait3A_345 = arith.constant 0 : i32
      %dma_wait3A_346 = tpu.memref_slice %arg14[%dma_wait3A_343, %dma_wait3A_344, %dma_wait3A_345] : memref<4x200x64xf32, #tpu.memory_space<vmem>> -> memref<1x120x64xf32, #tpu.memory_space<vmem>>
      %dma_wait3A_347 = tpu.memref_squeeze %dma_wait3A_346 : memref<1x120x64xf32, #tpu.memory_space<vmem>> -> memref<120x64xf32, #tpu.memory_space<vmem>>
      %dma_wait3A_348 = arith.constant 0 : i32
      %dma_wait3A_349 = tpu.memref_slice %arg9[%add3A_342, %dma_wait3A_348] : memref<128x200xi32, #tpu.memory_space<vmem>> -> memref<1x120xi32, #tpu.memory_space<vmem>>
      %dma_wait3A_350 = tpu.memref_squeeze %dma_wait3A_349 : memref<1x120xi32, #tpu.memory_space<vmem>> -> memref<120xi32, #tpu.memory_space<vmem>>
      %dma_wait3A_351 = arith.constant 0 : i32
      %dma_wait3A_352 = arith.constant 0 : i32
      %dma_wait3A_353 = tpu.memref_slice %arg3[%dma_wait3A_351, %dma_wait3A_352] : memref<1000000x64xf32, #tpu.memory_space<hbm>> -> memref<1000000x64xf32, #tpu.memory_space<hbm>>
      tpu.wait_indirect_dma semaphore(%arg8 : memref<!tpu.dma_semaphore, #tpu.memory_space<semaphore_mem>>) src(%dma_wait3A_353 : memref<1000000x64xf32, #tpu.memory_space<hbm>>) dst(%dma_wait3A_347 : memref<120x64xf32, #tpu.memory_space<vmem>>)
      %dma_wait3A_354 = arith.constant 3 : i32
      %dma_wait3A_355 = arith.constant 120 : i32
      %dma_wait3A_356 = arith.constant 0 : i32
      %dma_wait3A_357 = tpu.memref_slice %arg14[%dma_wait3A_354, %dma_wait3A_355, %dma_wait3A_356] : memref<4x200x64xf32, #tpu.memory_space<vmem>> -> memref<1x80x64xf32, #tpu.memory_space<vmem>>
      %dma_wait3A_358 = tpu.memref_squeeze %dma_wait3A_357 : memref<1x80x64xf32, #tpu.memory_space<vmem>> -> memref<80x64xf32, #tpu.memory_space<vmem>>
      %dma_wait3A_359 = arith.constant 120 : i32
      %dma_wait3A_360 = tpu.memref_slice %arg9[%add3A_342, %dma_wait3A_359] : memref<128x200xi32, #tpu.memory_space<vmem>> -> memref<1x80xi32, #tpu.memory_space<vmem>>
      %dma_wait3A_361 = tpu.memref_squeeze %dma_wait3A_360 : memref<1x80xi32, #tpu.memory_space<vmem>> -> memref<80xi32, #tpu.memory_space<vmem>>
      %dma_wait3A_362 = arith.constant 0 : i32
      %dma_wait3A_363 = arith.constant 0 : i32
      %dma_wait3A_364 = tpu.memref_slice %arg3[%dma_wait3A_362, %dma_wait3A_363] : memref<1000000x64xf32, #tpu.memory_space<hbm>> -> memref<1000000x64xf32, #tpu.memory_space<hbm>>
      tpu.wait_indirect_dma semaphore(%arg8 : memref<!tpu.dma_semaphore, #tpu.memory_space<semaphore_mem>>) src(%dma_wait3A_364 : memref<1000000x64xf32, #tpu.memory_space<hbm>>) dst(%dma_wait3A_358 : memref<80x64xf32, #tpu.memory_space<vmem>>)
      %parallel_loop3A_365 = arith.constant 0 : i32
      %parallel_loop3A_366 = arith.constant 200 : i32
      %parallel_loop3A_367 = arith.constant 1 : i32
      scf.for %parallel_loop3A_388 = %parallel_loop3A_365 to %parallel_loop3A_366 step %parallel_loop3A_367  : i32 {
        %parallel_loop3A_389 = arith.constant 3 : i32
        %parallel_loop3A_390 = arith.index_cast %parallel_loop3A_389 : i32 to index
        %parallel_loop3A_391 = arith.index_cast %parallel_loop3A_388 : i32 to index
        %parallel_loop3A_392 = arith.constant 0 : index
        %parallel_loop3A_393 = tpu.vector_load %arg14[%parallel_loop3A_390, %parallel_loop3A_391, %parallel_loop3A_392] {strides = array<i32>} : memref<4x200x64xf32, #tpu.memory_space<vmem>>, vector<1x1x16xf32>,
        %parallel_loop3A_394 = vector.shape_cast %parallel_loop3A_393 : vector<1x1x16xf32> to vector<16xf32>
        %parallel_loop3A_395 = arith.constant 8.000000e+00 : f32
        %parallel_loop3A_396 = vector.broadcast %parallel_loop3A_395 : f32 to vector<16xf32>
        %parallel_loop3A_397 = arith.mulf %parallel_loop3A_394, %parallel_loop3A_396 : vector<16xf32>
        %parallel_loop3A_398 = arith.constant 3 : i32
        %parallel_loop3A_399 = arith.index_cast %parallel_loop3A_398 : i32 to index
        %parallel_loop3A_400 = arith.index_cast %parallel_loop3A_388 : i32 to index
        %parallel_loop3A_401 = arith.constant 0 : index
        %parallel_loop3A_402 = tpu.vector_load %arg14[%parallel_loop3A_399, %parallel_loop3A_400, %parallel_loop3A_401] {strides = array<i32>} : memref<4x200x64xf32, #tpu.memory_space<vmem>>, vector<1x1x16xf32>,
        %parallel_loop3A_403 = vector.shape_cast %parallel_loop3A_402 : vector<1x1x16xf32> to vector<16xf32>
        %parallel_loop3A_404 = vector.shape_cast %parallel_loop3A_397 : vector<16xf32> to vector<1x1x16xf32>
        tpu.vector_store %arg14[%parallel_loop3A_399, %parallel_loop3A_400, %parallel_loop3A_401], %parallel_loop3A_404 {strides = array<i32>} : memref<4x200x64xf32, #tpu.memory_space<vmem>>, vector<1x1x16xf32>,
        %parallel_loop3A_405 = arith.constant 3 : i32
        %parallel_loop3A_406 = arith.index_cast %parallel_loop3A_405 : i32 to index
        %parallel_loop3A_407 = arith.index_cast %parallel_loop3A_388 : i32 to index
        %parallel_loop3A_408 = arith.constant 16 : index
        %parallel_loop3A_409 = tpu.vector_load %arg14[%parallel_loop3A_406, %parallel_loop3A_407, %parallel_loop3A_408] {strides = array<i32>} : memref<4x200x64xf32, #tpu.memory_space<vmem>>, vector<1x1x16xf32>,
        %parallel_loop3A_410 = vector.shape_cast %parallel_loop3A_409 : vector<1x1x16xf32> to vector<16xf32>
        %parallel_loop3A_411 = arith.constant 8.000000e+00 : f32
        %parallel_loop3A_412 = vector.broadcast %parallel_loop3A_411 : f32 to vector<16xf32>
        %parallel_loop3A_413 = arith.mulf %parallel_loop3A_410, %parallel_loop3A_412 : vector<16xf32>
        %parallel_loop3A_414 = arith.constant 3 : i32
        %parallel_loop3A_415 = arith.index_cast %parallel_loop3A_414 : i32 to index
        %parallel_loop3A_416 = arith.index_cast %parallel_loop3A_388 : i32 to index
        %parallel_loop3A_417 = arith.constant 16 : index
        %parallel_loop3A_418 = tpu.vector_load %arg14[%parallel_loop3A_415, %parallel_loop3A_416, %parallel_loop3A_417] {strides = array<i32>} : memref<4x200x64xf32, #tpu.memory_space<vmem>>, vector<1x1x16xf32>,
        %parallel_loop3A_419 = vector.shape_cast %parallel_loop3A_418 : vector<1x1x16xf32> to vector<16xf32>
        %parallel_loop3A_420 = vector.shape_cast %parallel_loop3A_413 : vector<16xf32> to vector<1x1x16xf32>
        tpu.vector_store %arg14[%parallel_loop3A_415, %parallel_loop3A_416, %parallel_loop3A_417], %parallel_loop3A_420 {strides = array<i32>} : memref<4x200x64xf32, #tpu.memory_space<vmem>>, vector<1x1x16xf32>,
        %parallel_loop3A_421 = arith.constant 3 : i32
        %parallel_loop3A_422 = arith.index_cast %parallel_loop3A_421 : i32 to index
        %parallel_loop3A_423 = arith.index_cast %parallel_loop3A_388 : i32 to index
        %parallel_loop3A_424 = arith.constant 32 : index
        %parallel_loop3A_425 = tpu.vector_load %arg14[%parallel_loop3A_422, %parallel_loop3A_423, %parallel_loop3A_424] {strides = array<i32>} : memref<4x200x64xf32, #tpu.memory_space<vmem>>, vector<1x1x16xf32>,
        %parallel_loop3A_426 = vector.shape_cast %parallel_loop3A_425 : vector<1x1x16xf32> to vector<16xf32>
        %parallel_loop3A_427 = arith.constant 8.000000e+00 : f32
        %parallel_loop3A_428 = vector.broadcast %parallel_loop3A_427 : f32 to vector<16xf32>
        %parallel_loop3A_429 = arith.mulf %parallel_loop3A_426, %parallel_loop3A_428 : vector<16xf32>
        %parallel_loop3A_430 = arith.constant 3 : i32
        %parallel_loop3A_431 = arith.index_cast %parallel_loop3A_430 : i32 to index
        %parallel_loop3A_432 = arith.index_cast %parallel_loop3A_388 : i32 to index
        %parallel_loop3A_433 = arith.constant 32 : index
        %parallel_loop3A_434 = tpu.vector_load %arg14[%parallel_loop3A_431, %parallel_loop3A_432, %parallel_loop3A_433] {strides = array<i32>} : memref<4x200x64xf32, #tpu.memory_space<vmem>>, vector<1x1x16xf32>,
        %parallel_loop3A_435 = vector.shape_cast %parallel_loop3A_434 : vector<1x1x16xf32> to vector<16xf32>
        %parallel_loop3A_436 = vector.shape_cast %parallel_loop3A_429 : vector<16xf32> to vector<1x1x16xf32>
        tpu.vector_store %arg14[%parallel_loop3A_431, %parallel_loop3A_432, %parallel_loop3A_433], %parallel_loop3A_436 {strides = array<i32>} : memref<4x200x64xf32, #tpu.memory_space<vmem>>, vector<1x1x16xf32>,
        %parallel_loop3A_437 = arith.constant 3 : i32
        %parallel_loop3A_438 = arith.index_cast %parallel_loop3A_437 : i32 to index
        %parallel_loop3A_439 = arith.index_cast %parallel_loop3A_388 : i32 to index
        %parallel_loop3A_440 = arith.constant 48 : index
        %parallel_loop3A_441 = tpu.vector_load %arg14[%parallel_loop3A_438, %parallel_loop3A_439, %parallel_loop3A_440] {strides = array<i32>} : memref<4x200x64xf32, #tpu.memory_space<vmem>>, vector<1x1x16xf32>,
        %parallel_loop3A_442 = vector.shape_cast %parallel_loop3A_441 : vector<1x1x16xf32> to vector<16xf32>
        %parallel_loop3A_443 = arith.constant 8.000000e+00 : f32
        %parallel_loop3A_444 = vector.broadcast %parallel_loop3A_443 : f32 to vector<16xf32>
        %parallel_loop3A_445 = arith.mulf %parallel_loop3A_442, %parallel_loop3A_444 : vector<16xf32>
        %parallel_loop3A_446 = arith.constant 3 : i32
        %parallel_loop3A_447 = arith.index_cast %parallel_loop3A_446 : i32 to index
        %parallel_loop3A_448 = arith.index_cast %parallel_loop3A_388 : i32 to index
        %parallel_loop3A_449 = arith.constant 48 : index
        %parallel_loop3A_450 = tpu.vector_load %arg14[%parallel_loop3A_447, %parallel_loop3A_448, %parallel_loop3A_449] {strides = array<i32>} : memref<4x200x64xf32, #tpu.memory_space<vmem>>, vector<1x1x16xf32>,
        %parallel_loop3A_451 = vector.shape_cast %parallel_loop3A_450 : vector<1x1x16xf32> to vector<16xf32>
        %parallel_loop3A_452 = vector.shape_cast %parallel_loop3A_445 : vector<16xf32> to vector<1x1x16xf32>
        tpu.vector_store %arg14[%parallel_loop3A_447, %parallel_loop3A_448, %parallel_loop3A_449], %parallel_loop3A_452 {strides = array<i32>} : memref<4x200x64xf32, #tpu.memory_space<vmem>>, vector<1x1x16xf32>,
      } {sc.loop_unroll_factor = 4 : i64, sc.parallel_access}
      %add3A_368 = arith.constant 3 : i32
      %add3A_369 = arith.addi %mul3A_183, %add3A_368 : i32
      %add3A_370 = arith.addi %mul3A_2, %add3A_369 : i32
      %dma_start3A_371 = arith.constant 3 : i32
      %dma_start3A_372 = arith.constant 0 : i32
      %dma_start3A_373 = arith.constant 0 : i32
      %dma_start3A_374 = tpu.memref_slice %arg14[%dma_start3A_371, %dma_start3A_372, %dma_start3A_373] : memref<4x200x64xf32, #tpu.memory_space<vmem>> -> memref<1x200x64xf32, #tpu.memory_space<vmem>>
      %dma_start3A_375 = tpu.memref_squeeze %dma_start3A_374 : memref<1x200x64xf32, #tpu.memory_space<vmem>> -> memref<200x64xf32, #tpu.memory_space<vmem>>
      %dma_start3A_376 = arith.constant 0 : i32
      %dma_start3A_377 = arith.constant 0 : i32
      %dma_start3A_378 = tpu.memref_slice %arg4[%add3A_370, %dma_start3A_376, %dma_start3A_377] : memref<4096x200x64xf32, #tpu.memory_space<hbm>> -> memref<1x200x64xf32, #tpu.memory_space<hbm>>
      %dma_start3A_379 = tpu.memref_squeeze %dma_start3A_378 : memref<1x200x64xf32, #tpu.memory_space<hbm>> -> memref<200x64xf32, #tpu.memory_space<hbm>>
      %dma_start3A_380 = arith.constant 0 : i32
      %dma_start3A_381 = arith.constant 0 : i32
      %dma_start3A_382 = tpu.memref_slice %arg4[%add3A_370, %dma_start3A_380, %dma_start3A_381] : memref<4096x200x64xf32, #tpu.memory_space<hbm>> -> memref<1x200x64xf32, #tpu.memory_space<hbm>>
      %dma_start3A_383 = tpu.memref_squeeze %dma_start3A_382 : memref<1x200x64xf32, #tpu.memory_space<hbm>> -> memref<200x64xf32, #tpu.memory_space<hbm>>
      %dma_start3A_384 = arith.constant 0 : i32
      %dma_start3A_385 = arith.constant 0 : i32
      %dma_start3A_386 = tpu.memref_slice %arg14[%dma_start3A_371, %dma_start3A_384, %dma_start3A_385] : memref<4x200x64xf32, #tpu.memory_space<vmem>> -> memref<1x200x64xf32, #tpu.memory_space<vmem>>
      %dma_start3A_387 = tpu.memref_squeeze %dma_start3A_386 : memref<1x200x64xf32, #tpu.memory_space<vmem>> -> memref<200x64xf32, #tpu.memory_space<vmem>>
      tpu.enqueue_dma source(%dma_start3A_387 : memref<200x64xf32, #tpu.memory_space<vmem>>) target(%dma_start3A_383 : memref<200x64xf32, #tpu.memory_space<hbm>>) target_semaphore(%arg13 : memref<!tpu.dma_semaphore, #tpu.memory_space<semaphore_mem>>)
    }
    %scan3A_101 = arith.constant 32 : i32
    %add3A_102 = arith.constant 124 : i32
    %add3A_103 = arith.addi %mul3A_2, %add3A_102 : i32
    %dma_wait3A = arith.constant 0 : i32
    %dma_wait3A_104 = arith.constant 0 : i32
    %dma_wait3A_105 = arith.constant 0 : i32
    %dma_wait3A_106 = tpu.memref_slice %arg14[%dma_wait3A, %dma_wait3A_104, %dma_wait3A_105] : memref<4x200x64xf32, #tpu.memory_space<vmem>> -> memref<1x200x64xf32, #tpu.memory_space<vmem>>
    %dma_wait3A_107 = tpu.memref_squeeze %dma_wait3A_106 : memref<1x200x64xf32, #tpu.memory_space<vmem>> -> memref<200x64xf32, #tpu.memory_space<vmem>>
    %dma_wait3A_108 = arith.constant 0 : i32
    %dma_wait3A_109 = arith.constant 0 : i32
    %dma_wait3A_110 = tpu.memref_slice %arg4[%add3A_103, %dma_wait3A_108, %dma_wait3A_109] : memref<4096x200x64xf32, #tpu.memory_space<hbm>> -> memref<1x200x64xf32, #tpu.memory_space<hbm>>
    %dma_wait3A_111 = tpu.memref_squeeze %dma_wait3A_110 : memref<1x200x64xf32, #tpu.memory_space<hbm>> -> memref<200x64xf32, #tpu.memory_space<hbm>>
    %dma_wait3A_112 = arith.constant 0 : i32
    %dma_wait3A_113 = arith.constant 0 : i32
    %dma_wait3A_114 = tpu.memref_slice %arg4[%add3A_103, %dma_wait3A_112, %dma_wait3A_113] : memref<4096x200x64xf32, #tpu.memory_space<hbm>> -> memref<1x200x64xf32, #tpu.memory_space<hbm>>
    %dma_wait3A_115 = tpu.memref_squeeze %dma_wait3A_114 : memref<1x200x64xf32, #tpu.memory_space<hbm>> -> memref<200x64xf32, #tpu.memory_space<hbm>>
    %dma_wait3A_116 = arith.constant 0 : i32
    %dma_wait3A_117 = arith.constant 0 : i32
    %dma_wait3A_118 = tpu.memref_slice %arg14[%dma_wait3A, %dma_wait3A_116, %dma_wait3A_117] : memref<4x200x64xf32, #tpu.memory_space<vmem>> -> memref<1x200x64xf32, #tpu.memory_space<vmem>>
    %dma_wait3A_119 = tpu.memref_squeeze %dma_wait3A_118 : memref<1x200x64xf32, #tpu.memory_space<vmem>> -> memref<200x64xf32, #tpu.memory_space<vmem>>
    tpu.wait_dma2 semaphore(%arg10 : memref<!tpu.dma_semaphore, #tpu.memory_space<semaphore_mem>>) src(%dma_wait3A_119 : memref<200x64xf32, #tpu.memory_space<vmem>>) dst(%dma_wait3A_115 : memref<200x64xf32, #tpu.memory_space<hbm>>)
    %add3A_120 = arith.constant 125 : i32
    %add3A_121 = arith.addi %mul3A_2, %add3A_120 : i32
    %dma_wait3A_122 = arith.constant 1 : i32
    %dma_wait3A_123 = arith.constant 0 : i32
    %dma_wait3A_124 = arith.constant 0 : i32
    %dma_wait3A_125 = tpu.memref_slice %arg14[%dma_wait3A_122, %dma_wait3A_123, %dma_wait3A_124] : memref<4x200x64xf32, #tpu.memory_space<vmem>> -> memref<1x200x64xf32, #tpu.memory_space<vmem>>
    %dma_wait3A_126 = tpu.memref_squeeze %dma_wait3A_125 : memref<1x200x64xf32, #tpu.memory_space<vmem>> -> memref<200x64xf32, #tpu.memory_space<vmem>>
    %dma_wait3A_127 = arith.constant 0 : i32
    %dma_wait3A_128 = arith.constant 0 : i32
    %dma_wait3A_129 = tpu.memref_slice %arg4[%add3A_121, %dma_wait3A_127, %dma_wait3A_128] : memref<4096x200x64xf32, #tpu.memory_space<hbm>> -> memref<1x200x64xf32, #tpu.memory_space<hbm>>
    %dma_wait3A_130 = tpu.memref_squeeze %dma_wait3A_129 : memref<1x200x64xf32, #tpu.memory_space<hbm>> -> memref<200x64xf32, #tpu.memory_space<hbm>>
    %dma_wait3A_131 = arith.constant 0 : i32
    %dma_wait3A_132 = arith.constant 0 : i32
    %dma_wait3A_133 = tpu.memref_slice %arg4[%add3A_121, %dma_wait3A_131, %dma_wait3A_132] : memref<4096x200x64xf32, #tpu.memory_space<hbm>> -> memref<1x200x64xf32, #tpu.memory_space<hbm>>
    %dma_wait3A_134 = tpu.memref_squeeze %dma_wait3A_133 : memref<1x200x64xf32, #tpu.memory_space<hbm>> -> memref<200x64xf32, #tpu.memory_space<hbm>>
    %dma_wait3A_135 = arith.constant 0 : i32
    %dma_wait3A_136 = arith.constant 0 : i32
    %dma_wait3A_137 = tpu.memref_slice %arg14[%dma_wait3A_122, %dma_wait3A_135, %dma_wait3A_136] : memref<4x200x64xf32, #tpu.memory_space<vmem>> -> memref<1x200x64xf32, #tpu.memory_space<vmem>>
    %dma_wait3A_138 = tpu.memref_squeeze %dma_wait3A_137 : memref<1x200x64xf32, #tpu.memory_space<vmem>> -> memref<200x64xf32, #tpu.memory_space<vmem>>
    tpu.wait_dma2 semaphore(%arg11 : memref<!tpu.dma_semaphore, #tpu.memory_space<semaphore_mem>>) src(%dma_wait3A_138 : memref<200x64xf32, #tpu.memory_space<vmem>>) dst(%dma_wait3A_134 : memref<200x64xf32, #tpu.memory_space<hbm>>)
    %add3A_139 = arith.constant 126 : i32
    %add3A_140 = arith.addi %mul3A_2, %add3A_139 : i32
    %dma_wait3A_141 = arith.constant 2 : i32
    %dma_wait3A_142 = arith.constant 0 : i32
    %dma_wait3A_143 = arith.constant 0 : i32
    %dma_wait3A_144 = tpu.memref_slice %arg14[%dma_wait3A_141, %dma_wait3A_142, %dma_wait3A_143] : memref<4x200x64xf32, #tpu.memory_space<vmem>> -> memref<1x200x64xf32, #tpu.memory_space<vmem>>
    %dma_wait3A_145 = tpu.memref_squeeze %dma_wait3A_144 : memref<1x200x64xf32, #tpu.memory_space<vmem>> -> memref<200x64xf32, #tpu.memory_space<vmem>>
    %dma_wait3A_146 = arith.constant 0 : i32
    %dma_wait3A_147 = arith.constant 0 : i32
    %dma_wait3A_148 = tpu.memref_slice %arg4[%add3A_140, %dma_wait3A_146, %dma_wait3A_147] : memref<4096x200x64xf32, #tpu.memory_space<hbm>> -> memref<1x200x64xf32, #tpu.memory_space<hbm>>
    %dma_wait3A_149 = tpu.memref_squeeze %dma_wait3A_148 : memref<1x200x64xf32, #tpu.memory_space<hbm>> -> memref<200x64xf32, #tpu.memory_space<hbm>>
    %dma_wait3A_150 = arith.constant 0 : i32
    %dma_wait3A_151 = arith.constant 0 : i32
    %dma_wait3A_152 = tpu.memref_slice %arg4[%add3A_140, %dma_wait3A_150, %dma_wait3A_151] : memref<4096x200x64xf32, #tpu.memory_space<hbm>> -> memref<1x200x64xf32, #tpu.memory_space<hbm>>
    %dma_wait3A_153 = tpu.memref_squeeze %dma_wait3A_152 : memref<1x200x64xf32, #tpu.memory_space<hbm>> -> memref<200x64xf32, #tpu.memory_space<hbm>>
    %dma_wait3A_154 = arith.constant 0 : i32
    %dma_wait3A_155 = arith.constant 0 : i32
    %dma_wait3A_156 = tpu.memref_slice %arg14[%dma_wait3A_141, %dma_wait3A_154, %dma_wait3A_155] : memref<4x200x64xf32, #tpu.memory_space<vmem>> -> memref<1x200x64xf32, #tpu.memory_space<vmem>>
    %dma_wait3A_157 = tpu.memref_squeeze %dma_wait3A_156 : memref<1x200x64xf32, #tpu.memory_space<vmem>> -> memref<200x64xf32, #tpu.memory_space<vmem>>
    tpu.wait_dma2 semaphore(%arg12 : memref<!tpu.dma_semaphore, #tpu.memory_space<semaphore_mem>>) src(%dma_wait3A_157 : memref<200x64xf32, #tpu.memory_space<vmem>>) dst(%dma_wait3A_153 : memref<200x64xf32, #tpu.memory_space<hbm>>)
    %add3A_158 = arith.constant 127 : i32
    %add3A_159 = arith.addi %mul3A_2, %add3A_158 : i32
    %dma_wait3A_160 = arith.constant 3 : i32
    %dma_wait3A_161 = arith.constant 0 : i32
    %dma_wait3A_162 = arith.constant 0 : i32
    %dma_wait3A_163 = tpu.memref_slice %arg14[%dma_wait3A_160, %dma_wait3A_161, %dma_wait3A_162] : memref<4x200x64xf32, #tpu.memory_space<vmem>> -> memref<1x200x64xf32, #tpu.memory_space<vmem>>
    %dma_wait3A_164 = tpu.memref_squeeze %dma_wait3A_163 : memref<1x200x64xf32, #tpu.memory_space<vmem>> -> memref<200x64xf32, #tpu.memory_space<vmem>>
    %dma_wait3A_165 = arith.constant 0 : i32
    %dma_wait3A_166 = arith.constant 0 : i32
    %dma_wait3A_167 = tpu.memref_slice %arg4[%add3A_159, %dma_wait3A_165, %dma_wait3A_166] : memref<4096x200x64xf32, #tpu.memory_space<hbm>> -> memref<1x200x64xf32, #tpu.memory_space<hbm>>
    %dma_wait3A_168 = tpu.memref_squeeze %dma_wait3A_167 : memref<1x200x64xf32, #tpu.memory_space<hbm>> -> memref<200x64xf32, #tpu.memory_space<hbm>>
    %dma_wait3A_169 = arith.constant 0 : i32
    %dma_wait3A_170 = arith.constant 0 : i32
    %dma_wait3A_171 = tpu.memref_slice %arg4[%add3A_159, %dma_wait3A_169, %dma_wait3A_170] : memref<4096x200x64xf32, #tpu.memory_space<hbm>> -> memref<1x200x64xf32, #tpu.memory_space<hbm>>
    %dma_wait3A_172 = tpu.memref_squeeze %dma_wait3A_171 : memref<1x200x64xf32, #tpu.memory_space<hbm>> -> memref<200x64xf32, #tpu.memory_space<hbm>>
    %dma_wait3A_173 = arith.constant 0 : i32
    %dma_wait3A_174 = arith.constant 0 : i32
    %dma_wait3A_175 = tpu.memref_slice %arg14[%dma_wait3A_160, %dma_wait3A_173, %dma_wait3A_174] : memref<4x200x64xf32, #tpu.memory_space<vmem>> -> memref<1x200x64xf32, #tpu.memory_space<vmem>>
    %dma_wait3A_176 = tpu.memref_squeeze %dma_wait3A_175 : memref<1x200x64xf32, #tpu.memory_space<vmem>> -> memref<200x64xf32, #tpu.memory_space<vmem>>
    tpu.wait_dma2 semaphore(%arg13 : memref<!tpu.dma_semaphore, #tpu.memory_space<semaphore_mem>>) src(%dma_wait3A_176 : memref<200x64xf32, #tpu.memory_space<vmem>>) dst(%dma_wait3A_172 : memref<200x64xf32, #tpu.memory_space<hbm>>)
    return
  }
}

</mosaic_0001>

<sc_bundles>
// kernel: kernel.3.cloned.1.call-start
scs
__scs_entry_jumppad:
0x0: {  	(pc) =	sbr.rel $0x88, $3  }
0x1: {  	(tag) =	ssettag $0x0;
	lr =	simm.s32 $0x1  }
0x2: {  	[smem:$0x3F9F] =	sst lr;
	_ =	strace $0xD0000000  }
0x3: {  	_ = 	snop  }
0x4: {  	_ = 	snop  }
0x5: {  	_ = 	snop  }
0x6: {  	_ = 	snop  }
0x7: {  	_ = 	snop  }
__scs_overlays_trampoline_lowered:
0x8: {  	[smem:$0x3FAE] =	sst s0  }
0x9: {  	[smem:$0x3FAF] =	sst s1  }
0xa: {  	[smem:$0x3FB0] =	sst s2  }
0xb: {  	[smem:$0x3FB1] =	sst s3  }
0xc: {  	[smem:$0x3FB2] =	sst s4  }
0xd: {  	[smem:$0x3FB3] =	sst s5  }
0xe: {  	[smem:$0x3FB4] =	sst s6  }
0xf: {  	[smem:$0x3FB5] =	sst s7  }
0x10: {  	[smem:$0x3FB6] =	sst s8  }
0x11: {  	[smem:$0x3FB7] =	sst s9;
	s0 =	simm.s32 @!p0 $0x0  }
0x12: {  	s1 =	sld [smem:$0x3F9D];
	s0 =	simm.s32 @p0 $0x1  }
0x13: {  	[smem:$0x3FB8] =	sst s0;
	s0 =	simm.s32 @!p1 $0x0  }
0x14: {  	s2 =	sld [smem:$0x3F9C];
	s0 =	simm.s32 @p1 $0x1  }
0x15: {  	[smem:$0x3FB9] =	sst s0;
	s0 =	simm.s32 @!p2 $0x0  }
0x16: {  	s3 =	sld [smem:$0x3FDB];
	s0 =	simm.s32 @p2 $0x1  }
0x17: {  	s4 =	simm.s32 $0x1BF5;
	[smem:$0x3FBB] =	sst s0  }
0x18: {  	s0 =	sld [smem:$0x3F9E];
	_ =	swait.ge [sflag:s4], $0x0  }
0x19: {  	s7 =	sld [smem:$0x3F9F]  }
0x1a: {  	s8 =	sadd.s32 $0xFFFFE003, lr  }
0x1b: {  	s9 =	sadd.s32 $0xFFFFFEF7, lr;
	s5 =	simm.s32 $0xFFFFFFFF;
	p2 =	slt.u32 s8, $0xFFFFF086  }
0x1c: {  	p1 =	slt.u32 s9, $0xF7A;
	s5 =	simm.s32 @!p2 $0x0  }
0x1d: {  	s5 =	simm.s32 @p1 $0x1;
	p0 =	seq.s32 s7, s2  }
0x1e: {  	s7 =	smul.u32 @!p0 $0xF7A, s2;
	p2 =	seq.s32 @!p0 s5, $0x0  }
0x1f: {  	s9 =	smul.u32 $0xF7A, s1;
	s8 =	simm.s32 @!p0 $0x1BF5;
	p2 =	por !p2, p0  }
0x20: {  	[sflag:s8] =	ssyncset.s32 @!p0 $0xFFFFF086;
	s6 =	sadd.s32 @!p0 s3, s7;
	s7 =	simm.s32 @!p0 $0x108  }
0x21: {  	s3 =	sadd.s32 s3, s9;
	s6 =	sadd.s32 @!p0 $0x88, s6;
	s7 =	simm.s32 @p2 $0x1082  }
0x22: {  	[simem:s7], [sflag:s8] =	dma.local @!p0 [hbm:s6], $0xF7A  }
0x23: {  	s9 =	sor.u32 $0xD0000000, s2;
	s6 =	simm.s32 $0x108;
	_ =	swait.ge @!p0 [sflag:s8], $0x0  }
0x24: {  	s3 =	sadd.s32 $0x88, s3;
	s6 =	simm.s32 @!p1 $0x1082;
	[sflag:s4] =	ssyncset.s32 $0xFFFFF086  }
0x25: {  	[simem:s6], [sflag:s4] =	dma.local [hbm:s3], $0xF7A  }
0x26: {  	[smem:$0x3F9F] =	sst s1;
	(tag) =	ssettag s2;
	_ =	strace s9  }
0x27: {  	s1 =	sld [smem:$0x3FAF]  }
0x28: {  	s2 =	sld [smem:$0x3FB0]  }
0x29: {  	s4 =	sld [smem:$0x3FB2]  }
0x2a: {  	p0 =	seq.s32 s5, $0x0;
	s5 =	sld [smem:$0x3FB3]  }
0x2b: {  	s6 =	sld [smem:$0x3FB4]  }
0x2c: {  	s7 =	sld [smem:$0x3FB5]  }
0x2d: {  	s3 =	simm.s32 $0x108;
	s8 =	sld [smem:$0x3FB6]  }
0x2e: {  	s3 =	simm.s32 @!p0 $0x1082;
	s9 =	sld [smem:$0x3FB7]  }
0x2f: {  	lr =	sadd.s32 s0, s3;
	s0 =	sld [smem:$0x3FAE]  }
0x30: {  	s3 =	sld [smem:$0x3FB1]  }
0x31: {  	[smem:$0x3FBA] =	sst s10  }
0x32: {  	s10 =	sld [smem:$0x3FB8];
	_ =	sdelay $0x3  }
0x33: {  	p0 =	seq.s32 s10, $0x1;
	s10 =	sld [smem:$0x3FBA];
	_ =	sdelay $0x3  }
0x34: {  	[smem:$0x3FBA] =	sst s10  }
0x35: {  	s10 =	sld [smem:$0x3FB9];
	_ =	sdelay $0x3  }
0x36: {  	p1 =	seq.s32 s10, $0x1;
	s10 =	sld [smem:$0x3FBA];
	_ =	sdelay $0x3  }
0x37: {  	[smem:$0x3FBA] =	sst s10  }
0x38: {  	s10 =	sld [smem:$0x3FBB]  }
0x39: {  	_ = 	snop;
	(pc) =	sbr.ind lr, $3  }
0x3a: {  	_ = 	snop  }
0x3b: {  	_ = 	snop  }
0x3c: {  	p2 =	seq.s32 s10, $0x1;
	s10 =	sld [smem:$0x3FBA]  }
0x3d: {  	_ =	shalt  }
0x3e: {  	_ =	shalt  }
0x3f: {  	_ =	shalt  }
0x40: {  	_ =	shalt  }
0x41: {  	_ =	shalt  }
0x42: {  	_ =	shalt  }
0x43: {  	_ =	shalt  }
0x44: {  	_ =	shalt  }
0x45: {  	_ =	shalt  }
0x46: {  	_ =	shalt  }
0x47: {  	_ =	shalt  }
0x48: {  	_ =	shalt  }
0x49: {  	_ =	shalt  }
0x4a: {  	_ =	shalt  }
0x4b: {  	_ =	shalt  }
0x4c: {  	_ =	shalt  }
0x4d: {  	_ =	shalt  }
0x4e: {  	_ =	shalt  }
0x4f: {  	_ =	shalt  }
0x50: {  	_ =	shalt  }
0x51: {  	_ =	shalt  }
0x52: {  	_ =	shalt  }
0x53: {  	_ =	shalt  }
0x54: {  	_ =	shalt  }
0x55: {  	_ =	shalt  }
0x56: {  	_ =	shalt  }
0x57: {  	_ =	shalt  }
0x58: {  	_ =	shalt  }
0x59: {  	_ =	shalt  }
0x5a: {  	_ =	shalt  }
0x5b: {  	_ =	shalt  }
0x5c: {  	_ =	shalt  }
0x5d: {  	_ =	shalt  }
0x5e: {  	_ =	shalt  }
0x5f: {  	_ =	shalt  }
0x60: {  	_ =	shalt  }
0x61: {  	_ =	shalt  }
0x62: {  	_ =	shalt  }
0x63: {  	_ =	shalt  }
0x64: {  	_ =	shalt  }
0x65: {  	_ =	shalt  }
0x66: {  	_ =	shalt  }
0x67: {  	_ =	shalt  }
0x68: {  	_ =	shalt  }
0x69: {  	_ =	shalt  }
0x6a: {  	_ =	shalt  }
0x6b: {  	_ =	shalt  }
0x6c: {  	_ =	shalt  }
0x6d: {  	_ =	shalt  }
0x6e: {  	_ =	shalt  }
0x6f: {  	_ =	shalt  }
0x70: {  	_ =	shalt  }
0x71: {  	_ =	shalt  }
0x72: {  	_ =	shalt  }
0x73: {  	_ =	shalt  }
0x74: {  	_ =	shalt  }
0x75: {  	_ =	shalt  }
0x76: {  	_ =	shalt  }
0x77: {  	_ =	shalt  }
0x78: {  	_ =	shalt  }
0x79: {  	_ =	shalt  }
0x7a: {  	_ =	shalt  }
0x7b: {  	_ =	shalt  }
0x7c: {  	_ =	shalt  }
0x7d: {  	_ =	shalt  }
0x7e: {  	_ =	shalt  }
0x7f: {  	_ =	shalt  }
0x80: {  	_ =	shalt  }
0x81: {  	_ =	shalt  }
0x82: {  	_ =	shalt  }
0x83: {  	_ =	shalt  }
0x84: {  	_ =	shalt  }
0x85: {  	_ =	shalt  }
0x86: {  	_ =	shalt  }
0x87: {  	_ =	shalt  }
.Lfunc_end0:
.L_simem_size_0:
called_computation.1_lowered:
.L_overlay_start_0:
0x88: {  	s2 =	sld [smem:$0x3FD9]  }
0x89: {  	s3 =	sld [smem:$0x3FFE];
	_ =	sdelay $0x1  }
0x8a: {  	s1 =	srdreg.scid  }
0x8b: {  	s0 =	sand.u32 $0x1, s1  }
0x8c: {  	s17 =	sshll.u32 s0, $0xA;
	s2 =	sadd.s32 s3, s2  }
0x8d: {  	s2 =	sadd.s32 s2, s17  }
0x8e: {  	[smem:$0x3FC6] =	sst s2  }
0x8f: {  	_ = 	snop  }
0x90: {  	s2 =	sld [smem:$0x3FD0];
	(tm) =	ssettm $0x1  }
0x91: {  	s18 =	sld [smem:$0x3FFB];
	_ =	sdelay $0x3  }
0x92: {  	_ =	strace s18  }
0x93: {  	s3 =	sld [smem:$0x3FFC];
	_ =	sdelay $0x3  }
0x94: {  	_ =	strace s3  }
0x95: {  	s3 =	sld [smem:$0x3FFD];
	_ =	sdelay $0x3  }
0x96: {  	_ =	strace s3  }
0x97: {  	_ =	strace $0x8FFFFFFF  }
0x98: {  	s19 =	sld [smem:$0x3FDB];
	_ =	sdelay $0x1  }
0x99: {  	s4 =	simm.s32 $_scs_section_size  }
0x9a: {  	s5 =	simm.s32 $_size__tile_overlayer_lowered;
	s6 =	simm.s32 $_tile_overlayer_lowered  }
0x9b: {  	s22 =	simm.s32 $0x1BFF;
	s21 =	sshll.u32 s6, $0x1;
	s3 =	sadd.s32 s4, s19  }
0x9c: {  	s7 =	simm.s32 $0x0;
	s20 =	sshll.u32 s5, $0x1;
	s5 =	sadd.s32 s21, s3  }
0x9d: {  	[timem:s7], [sflag:s22] =	dma.local [hbm:s5], s20  }
0x9e: {  	_ =	swait.ge [sflag:s22], s20  }
0x9f: {  	s4 =	ssub.s32 $0x0, s20;
	[sflag:s22] =	ssyncset.done $0x0  }
0xa0: {  	[sflag:s22] =	ssyncadd.s32 s4;
	_ =	sdelay $0x1  }
0xa1: {  	s23 =	simm.s32 $0x1B8B  }
0xa2: {  	_ =	swait.ge [sflag:s23], $0x1  }
0xa3: {  	[sflag:s23] =	ssyncset.done $0x0  }
0xa4: {  	s25 =	simm.s32 $0x1B8E;
	s24 =	sld [smem:$0x3FFE];
	[sflag:s23] =	ssyncadd.s32 $0xFFFFFFFF  }
0xa5: {  	s26 =	simm.s32 $execute0_lowered;
	[smem:$0x3FD2] =	sst s25  }
0xa6: {  	s5 =	sshll.u32 s26, $0x1;
	_ =	strace $0x80000046;
	[dreg:$0x1] =	wrdreg $0xFFFFFFFF  }
0xa7: {  	s28 =	simm.s32 $_size_execute0_lowered;
	s3 =	sadd.s32 s3, s5;
	[dreg:$0x0] =	wrdreg $0x0  }
0xa8: {  	s5 =	sshll.u32 s28, $0x1;
	[dreg:$0x2] =	wrdreg s3  }
0xa9: {  	[dreg:$0x3] =	wrdreg s5  }
0xaa: {  	[dreg:$0x4] =	wrdreg $0xC0  }
0xab: {  	_ =	task [dreg:s7], $0x5FFFF  }
0xac: {  	[dreg:$0x1] =	wrdreg $0xFFFFFFFF  }
0xad: {  	[dreg:$0x0] =	wrdreg $0x60  }
0xae: {  	[dreg:$0x2] =	wrdreg s24  }
0xaf: {  	[dreg:$0x3] =	wrdreg s2  }
0xb0: {  	[dreg:$0x4] =	wrdreg $0x9  }
0xb1: {  	_ =	task.clear_ibuf [dreg:s7], $0x5FFFF;
	_ =	strace $0x90000046  }
0xb2: {  	s29 =	simm.s32 $0x9;
	_ =	strace $0x80000048  }
0xb3: {  	_ =	swait.ge [sflag:s29], $0x1  }
0xb4: {  	[sflag:s29] =	ssyncadd.s32 $0xFFFFFFFF  }
0xb5: {  	_ =	strace $0x90000048  }
0xb6: {  	_ =	sfence  }
0xb7: {  	s30 =	sld [smem:$0x0];
	_ =	sdelay $0x2  }
0xb8: {  	s31 =	sshll.u32 s1, $0xD;
	s1 =	sshrl.u32 s1, $0x2  }
0xb9: {  	s3 =	sand.u32 $0x4000, s31;
	s1 =	sadd.s32 s1, s30  }
0xba: {  	s0 =	sor.u32 s3, s0;
	s1 =	sshll.u32 s1, $0x11  }
0xbb: {  	s0 =	sor.u32 s1, s0  }
0xbc: {  	s0 =	sadd.s32 $0x8F2B, s0  }
0xbd: {  	[sflag:s0] =	ssyncadd.remote.s32 $0x1  }
0xbe: {  	_ =	sfence.sel $0xFFFF  }
0xbf: {  	[dreg:$0x0] =	wrdreg $0xFFFFFFFF;
	(pc) =	sbr.abs _section_cstart, $3  }
0xc0: {  	[dreg:$0x1] =	wrdreg $0xFFFFFFFF  }
0xc1: {  	_ =	task.clear_ibuf [dreg:s7], $0x2FFFF;
	_ =	strace $0x9FFFFFFF  }
0xc2: {  	(tm) =	ssettm $0x7FFFFFFF  }
0xc3: {  	_ =	shalt  }
tec
execute0_lowered:
.L_overlay_start_1:
0x0: {  	(tag) =	ssettag $0x1  }
0x1: {  	s0 =	srdreg.scid;
	s2 =	stileid.u32  }
0x2: {  	s1 =	rddreg [dreg:$0x0];
	s8 =	simm.s32 $0x9;
	s9 =	simm.s32 $0x78  }
0x3: {  	s10 =	simm.s32 $0x6400;
	s11 =	simm.s32 $0x50;
	s14 =	simm.s32 $0x9600  }
0x4: {  	s18 =	simm.s32 $0xC800;
	s21 =	simm.s32 $0x258;
	s22 =	simm.s32 $0xFA00  }
0x5: {  	s23 =	simm.s32 $0x2D0;
	s24 =	simm.s32 $0x11800;
	s25 =	simm.s32 $0x1  }
0x6: {  	s26 =	simm.s32 $0x2;
	s28 =	simm.s32 $0x3;
	s29 =	simm.s32 $0x4  }
0x7: {  	s30 =	simm.s32 $0x5;
	s31 =	simm.s32 $0x6;
	s0 =	sand.u32 $0x1, s0  }
0x8: {  	s12 =	simm.s32 $0x0;
	s3 =	sshll.u32 s2, $0x8;
	s4 =	sshll.u32 s0, $0x7  }
0x9: {  	s0 =	ssub.s32 $0x2, s0;
	s3 =	sor.u32 s4, s3;
	s4 =	simm.s32 $0x0  }
0xa: {  	s7 =	sshrl.u32 s0, $0x1;
	s5 =	smul.u32 $0x19, s3;
	[smem:$0x7FF] =	sst s4  }
0xb: {  	s2 =	rddreg [dreg:$0x1];
	s0 =	ssub.s32 s0, s7;
	_ =	strace $0x80000047  }
0xc: {  	s7 =	smax.u32 s0, $0x1;
	s0 =	simm.s32 $0x8;
	s6 =	sadd.s32 s5, s1  }
0xd: {  	s5 =	sadd.s32 $0xF42E00, s1;
	s1 =	simm.s32 $0x7;
	s6 =	sadd.s32 $0xA00, s6  }
.LBB2_1:
0xe: {  	[tilespmem:s4], [sflag:$0x9] =	stream.linear.gather [hbm4b:s6+s4], $0x6400, $0x38;
	[tilespmem:$0x12C00] =	vst v63  }
0xf: {  	_ =	swait.ge [sflag:s8], $0x6400  }
0x10: {  	[sflag:s8] =	ssyncset.done $0x0  }
0x11: {  	[sflag:s8] =	ssyncadd.s32 $0xFFFF9C00  }
0x12: {  	[tilespmem:s10], [sflag:$0x1] =	stream.indirect.gather [hbm4b:s5+s9], $0x40, s4, s9, $0xb8;
	[tilespmem:$0x12C00] =	vst v63  }
0x13: {  	s13 =	simm.s32 $0x8200  }
0x14: {  	[tilespmem:s13], [sflag:$0x1] =	stream.indirect.gather [hbm4b:s5+s11], $0x40, s9, s11, $0xb8;
	[tilespmem:$0x12C00] =	vst v63  }
0x15: {  	s15 =	simm.s32 $0xC8  }
0x16: {  	[tilespmem:s14], [sflag:$0x2] =	stream.indirect.gather [hbm4b:s5+s9], $0x40, s15, s9, $0xb8;
	[tilespmem:$0x12C00] =	vst v63  }
0x17: {  	s16 =	simm.s32 $0x140;
	s15 =	simm.s32 $0xB400  }
0x18: {  	[tilespmem:s15], [sflag:$0x2] =	stream.indirect.gather [hbm4b:s5+s11], $0x40, s16, s11, $0xb8;
	[tilespmem:$0x12C00] =	vst v63  }
0x19: {  	s17 =	simm.s32 $0x190  }
0x1a: {  	[tilespmem:s18], [sflag:$0x3] =	stream.indirect.gather [hbm4b:s5+s9], $0x40, s17, s9, $0xb8;
	[tilespmem:$0x12C00] =	vst v63  }
0x1b: {  	s19 =	simm.s32 $0x208;
	s20 =	simm.s32 $0xE600  }
0x1c: {  	[tilespmem:s20], [sflag:$0x3] =	stream.indirect.gather [hbm4b:s5+s11], $0x40, s19, s11, $0xb8;
	[tilespmem:$0x12C00] =	vst v63  }
0x1d: {  	_ = 	snop  }
0x1e: {  	[tilespmem:s22], [sflag:$0x4] =	stream.indirect.gather [hbm4b:s5+s9], $0x40, s21, s9, $0xb8;
	[tilespmem:$0x12C00] =	vst v63  }
0x1f: {  	s13 =	simm.s32 $0x0  }
0x20: {  	[tilespmem:s24], [sflag:$0x4] =	stream.indirect.gather [hbm4b:s5+s11], $0x40, s23, s11, $0xb8;
	[tilespmem:$0x12C00] =	vst v63  }
.LBB2_2:
0x21: {  	p0 =	seq.s32 s13, $0x0  }
0x22: {  	s15 =	simm.s32 @!p0 $0x5  }
0x23: {  	s16 =	smul.u32 @!p0 $0xC80, s13;
	_ =	swait.ge @!p0 [sflag:s15], $0x3200  }
0x24: {  	s17 =	simm.s32 @!p0 $0x6400;
	[sflag:s15] =	ssyncset.done @!p0 $0x0  }
0x25: {  	[sflag:s15] =	ssyncadd.s32 @!p0 $0xFFFFCE00;
	s15 =	sshra.s32 @!p0 s16, $0x2;
	s16 =	simm.s32 @!p0 $0x78  }
0x26: {  	[tilespmem:s17], [sflag:$0x1] =	stream.indirect.gather @!p0 [hbm4b:s5+s16], $0x40, s15, s16, $0xb8;
	[tilespmem:$0x12C00] =	vst v63  }
0x27: {  	s19 =	simm.s32 @!p0 $0x50;
	s20 =	simm.s32 @!p0 $0x8200;
	s17 =	sadd.s32 @!p0 $0x78, s15  }
0x28: {  	[tilespmem:s20], [sflag:$0x1] =	stream.indirect.gather @!p0 [hbm4b:s5+s19], $0x40, s17, s19, $0xb8;
	[tilespmem:$0x12C00] =	vst v63  }
0x29: {  	s17 =	simm.s32 @!p0 $0x6  }
0x2a: {  	_ =	swait.ge @!p0 [sflag:s17], $0x3200  }
0x2b: {  	[sflag:s17] =	ssyncset.done @!p0 $0x0  }
0x2c: {  	s20 =	simm.s32 @!p0 $0x9600;
	[sflag:s17] =	ssyncadd.s32 @!p0 $0xFFFFCE00;
	s17 =	sadd.s32 @!p0 $0xC8, s15  }
0x2d: {  	[tilespmem:s20], [sflag:$0x2] =	stream.indirect.gather @!p0 [hbm4b:s5+s16], $0x40, s17, s16, $0xb8;
	[tilespmem:$0x12C00] =	vst v63  }
0x2e: {  	s17 =	sadd.s32 @!p0 $0x140, s15;
	s20 =	simm.s32 @!p0 $0xB400  }
0x2f: {  	[tilespmem:s20], [sflag:$0x2] =	stream.indirect.gather @!p0 [hbm4b:s5+s19], $0x40, s17, s19, $0xb8;
	[tilespmem:$0x12C00] =	vst v63  }
0x30: {  	s17 =	simm.s32 @!p0 $0x7  }
0x31: {  	_ =	swait.ge @!p0 [sflag:s17], $0x3200  }
0x32: {  	[sflag:s17] =	ssyncset.done @!p0 $0x0  }
0x33: {  	s20 =	simm.s32 @!p0 $0xC800;
	[sflag:s17] =	ssyncadd.s32 @!p0 $0xFFFFCE00;
	s17 =	sadd.s32 @!p0 $0x190, s15  }
0x34: {  	[tilespmem:s20], [sflag:$0x3] =	stream.indirect.gather @!p0 [hbm4b:s5+s16], $0x40, s17, s16, $0xb8;
	[tilespmem:$0x12C00] =	vst v63  }
0x35: {  	s17 =	sadd.s32 @!p0 $0x208, s15;
	s20 =	simm.s32 @!p0 $0xE600  }
0x36: {  	[tilespmem:s20], [sflag:$0x3] =	stream.indirect.gather @!p0 [hbm4b:s5+s19], $0x40, s17, s19, $0xb8;
	[tilespmem:$0x12C00] =	vst v63  }
0x37: {  	s17 =	simm.s32 @!p0 $0x8  }
0x38: {  	_ =	swait.ge @!p0 [sflag:s17], $0x3200  }
0x39: {  	[sflag:s17] =	ssyncset.done @!p0 $0x0  }
0x3a: {  	s20 =	simm.s32 @!p0 $0xFA00;
	[sflag:s17] =	ssyncadd.s32 @!p0 $0xFFFFCE00;
	s17 =	sadd.s32 @!p0 $0x258, s15  }
0x3b: {  	[tilespmem:s20], [sflag:$0x4] =	stream.indirect.gather @!p0 [hbm4b:s5+s16], $0x40, s17, s16, $0xb8;
	[tilespmem:$0x12C00] =	vst v63  }
0x3c: {  	s15 =	sadd.s32 @!p0 $0x2D0, s15;
	s16 =	simm.s32 @!p0 $0x11800  }
0x3d: {  	[tilespmem:s16], [sflag:$0x4] =	stream.indirect.gather @!p0 [hbm4b:s5+s19], $0x40, s15, s19, $0xb8;
	[tilespmem:$0x12C00] =	vst v63  }
0x3e: {  	_ =	swait.ge [sflag:s25], $0x1E00  }
0x3f: {  	[sflag:s25] =	ssyncset.done $0x0  }
0x40: {  	[sflag:s25] =	ssyncadd.s32 $0xFFFFE200  }
0x41: {  	_ =	swait.ge [sflag:s25], $0x1400  }
0x42: {  	[sflag:s25] =	ssyncset.done $0x0  }
0x43: {  	s16 =	simm.s32 $0x6480;
	[sflag:s25] =	ssyncadd.s32 $0xFFFFEC00  }
0x44: {  	v0 =	vld [tilespmem:s16+$0x70]  }
0x45: {  	v1 =	vld [tilespmem:s16+$0xFFFFFF90]  }
0x46: {  	v2 =	vld [tilespmem:s16+$0xFFFFFFA0]  }
0x47: {  	v3 =	vld [tilespmem:s16+$0xFFFFFFB0]  }
0x48: {  	v4 =	vld [tilespmem:s16+$0xFFFFFFC0]  }
0x49: {  	v5 =	vld [tilespmem:s16+$0xFFFFFFD0];
	v0 =	vmul.f32 $8.000000000e+00, v0  }
0x4a: {  	v6 =	vld [tilespmem:s16+$0xFFFFFFE0];
	v1 =	vmul.f32 $8.000000000e+00, v1  }
0x4b: {  	v7 =	vld [tilespmem:s16+$0xFFFFFFF0];
	v2 =	vmul.f32 $8.000000000e+00, v2;
	[tilespmem:s16+$0x70] =	vst v0  }
0x4c: {  	[tilespmem:s16+$0xFFFFFF90] =	vst v1;
	v0 =	vmul.f32 $8.000000000e+00, v3;
	v3 =	vld [tilespmem:s16+$0x0]  }
0x4d: {  	[tilespmem:s16+$0xFFFFFFA0] =	vst v2;
	v1 =	vmul.f32 $8.000000000e+00, v4;
	v4 =	vld [tilespmem:s16+$0x10]  }
0x4e: {  	v8 =	vld [tilespmem:s16+$0x20];
	v2 =	vmul.f32 $8.000000000e+00, v5;
	[tilespmem:s16+$0xFFFFFFB0] =	vst v0  }
0x4f: {  	v5 =	vmul.f32 $8.000000000e+00, v6;
	[tilespmem:s16+$0xFFFFFFC0] =	vst v1;
	v0 =	vld [tilespmem:s16+$0x30]  }
0x50: {  	v6 =	vmul.f32 $8.000000000e+00, v7;
	[tilespmem:s16+$0xFFFFFFD0] =	vst v2;
	v1 =	vld [tilespmem:s16+$0x40]  }
0x51: {  	[tilespmem:s16+$0xFFFFFFE0] =	vst v5;
	v2 =	vld [tilespmem:s16+$0x50];
	v7 =	vmul.f32 $8.000000000e+00, v3  }
0x52: {  	[tilespmem:s16+$0xFFFFFFF0] =	vst v6;
	v3 =	vld [tilespmem:s16+$0x60];
	v5 =	vmul.f32 $8.000000000e+00, v4  }
0x53: {  	s17 =	simm.s32 $0x0;
	s15 =	sshll.u32 s13, $0x2;
	s19 =	simm.s32 $0x6580;
	v6 =	vmul.f32 $8.000000000e+00, v8;
	v4 =	vld [tilespmem:s16+$0xFFFFFF80];
	[tilespmem:s16+$0x0] =	vst v7  }
.LBB2_3:
0x54: {  	v7 =	vld [tilespmem:s19+$0x70];
	s17 =	sadd.s32 $0x4, s17;
	[tilespmem:s16+$0x10] =	vst v5;
	v0 =	vmul.f32 $8.000000000e+00, v0  }
0x55: {  	v5 =	vld [tilespmem:s19+$0xFFFFFF90];
	p0 =	slt.u32 s17, $0xC4;
	[tilespmem:s16+$0x20] =	vst v6;
	v1 =	vmul.f32 $8.000000000e+00, v1  }
0x56: {  	v6 =	vld [tilespmem:s19+$0xFFFFFFA0];
	[tilespmem:s16+$0x30] =	vst v0;
	v0 =	vmul.f32 $8.000000000e+00, v2  }
0x57: {  	v2 =	vld [tilespmem:s19+$0xFFFFFFB0];
	[tilespmem:s16+$0x40] =	vst v1;
	v1 =	vmul.f32 $8.000000000e+00, v3  }
0x58: {  	v3 =	vld [tilespmem:s19+$0xFFFFFFC0];
	v4 =	vmul.f32 $8.000000000e+00, v4;
	[tilespmem:s16+$0x50] =	vst v0  }
0x59: {  	v0 =	vld [tilespmem:s19+$0xFFFFFFD0];
	v7 =	vmul.f32 $8.000000000e+00, v7;
	[tilespmem:s16+$0x60] =	vst v1  }
0x5a: {  	v1 =	vmul.f32 $8.000000000e+00, v5;
	v5 =	vld [tilespmem:s19+$0xFFFFFFE0];
	[tilespmem:s16+$0xFFFFFF80] =	vst v4;
	s16 =	smov.u32 s19  }
0x5b: {  	v4 =	vmul.f32 $8.000000000e+00, v6;
	v6 =	vld [tilespmem:s19+$0xFFFFFFF0];
	[tilespmem:s19+$0x70] =	vst v7  }
0x5c: {  	[tilespmem:s19+$0xFFFFFF90] =	vst v1;
	v1 =	vmul.f32 $8.000000000e+00, v2;
	v2 =	vld [tilespmem:s19+$0x0]  }
0x5d: {  	[tilespmem:s19+$0xFFFFFFA0] =	vst v4;
	v3 =	vmul.f32 $8.000000000e+00, v3;
	v4 =	vld [tilespmem:s19+$0x10]  }
0x5e: {  	[tilespmem:s19+$0xFFFFFFB0] =	vst v1;
	v1 =	vmul.f32 $8.000000000e+00, v0;
	v7 =	vld [tilespmem:s19+$0x20]  }
.Ltmp0:
0x5f: {  	[tilespmem:s19+$0xFFFFFFC0] =	vst v3;
	v3 =	vmul.f32 $8.000000000e+00, v5;
	v0 =	vld [tilespmem:s19+$0x30];
	(pc) =	sbr.rel @p0 .LBB2_3-.Ltmp0, $4  }
0x60: {  	[tilespmem:s19+$0xFFFFFFD0] =	vst v1;
	v5 =	vmul.f32 $8.000000000e+00, v6;
	v1 =	vld [tilespmem:s19+$0x40]  }
0x61: {  	[tilespmem:s19+$0xFFFFFFE0] =	vst v3;
	v6 =	vmul.f32 $8.000000000e+00, v2;
	v2 =	vld [tilespmem:s19+$0x50]  }
0x62: {  	[tilespmem:s19+$0xFFFFFFF0] =	vst v5;
	v5 =	vmul.f32 $8.000000000e+00, v4;
	v3 =	vld [tilespmem:s19+$0x60]  }
0x63: {  	s19 =	sadd.s32 $0x100, s19;
	v4 =	vld [tilespmem:s16+$0xFFFFFF80];
	[tilespmem:s16+$0x0] =	vst v6;
	v6 =	vmul.f32 $8.000000000e+00, v7  }
0x64: {  	[tilespmem:s16+$0x10] =	vst v5;
	v0 =	vmul.f32 $8.000000000e+00, v0  }
0x65: {  	[tilespmem:s16+$0x20] =	vst v6;
	v1 =	vmul.f32 $8.000000000e+00, v1  }
0x66: {  	[tilespmem:s16+$0x30] =	vst v0;
	v0 =	vmul.f32 $8.000000000e+00, v2  }
0x67: {  	s17 =	sadd.s32 s3, s15;
	[tilespmem:s16+$0x40] =	vst v1;
	v1 =	vmul.f32 $8.000000000e+00, v3  }
0x68: {  	s17 =	smul.u32 $0x640, s17;
	v2 =	vmul.f32 $8.000000000e+00, v4;
	[tilespmem:s16+$0x50] =	vst v0  }
0x69: {  	[tilespmem:s16+$0x60] =	vst v1  }
0x6a: {  	s20 =	sadd.s32 s2, s17;
	[tilespmem:s16+$0xFFFFFF80] =	vst v2  }
0x6b: {  	[hbm4b:s20+s4] =	stream.linear.scatter [tilespmem:s10], [sflag:$0x5], $0x3200, $0x38;
	[tilespmem:$0x12C00] =	vst v63  }
0x6c: {  	_ =	swait.ge [sflag:s26], $0x1E00  }
0x6d: {  	[sflag:s26] =	ssyncset.done $0x0  }
0x6e: {  	[sflag:s26] =	ssyncadd.s32 $0xFFFFE200  }
0x6f: {  	_ =	swait.ge [sflag:s26], $0x1400  }
0x70: {  	[sflag:s26] =	ssyncset.done $0x0  }
0x71: {  	s16 =	simm.s32 $0x96F0;
	[sflag:s26] =	ssyncadd.s32 $0xFFFFEC00  }
0x72: {  	v0 =	vld [tilespmem:s16+$0x0]  }
0x73: {  	v1 =	vld [tilespmem:s16+$0xFFFFFF20]  }
0x74: {  	v2 =	vld [tilespmem:s16+$0xFFFFFF30]  }
0x75: {  	v3 =	vld [tilespmem:s16+$0xFFFFFF40]  }
0x76: {  	v4 =	vld [tilespmem:s16+$0xFFFFFF50]  }
0x77: {  	v5 =	vld [tilespmem:s16+$0xFFFFFF60];
	v0 =	vmul.f32 $8.000000000e+00, v0  }
0x78: {  	v6 =	vld [tilespmem:s16+$0xFFFFFF70];
	v1 =	vmul.f32 $8.000000000e+00, v1  }
0x79: {  	v7 =	vld [tilespmem:s16+$0xFFFFFF80];
	v2 =	vmul.f32 $8.000000000e+00, v2;
	[tilespmem:s16+$0x0] =	vst v0  }
0x7a: {  	[tilespmem:s16+$0xFFFFFF20] =	vst v1;
	v0 =	vmul.f32 $8.000000000e+00, v3;
	v3 =	vld [tilespmem:s16+$0xFFFFFF90]  }
0x7b: {  	v8 =	vld [tilespmem:s16+$0xFFFFFFA0];
	[tilespmem:s16+$0xFFFFFF30] =	vst v2;
	v1 =	vmul.f32 $8.000000000e+00, v4  }
0x7c: {  	v9 =	vld [tilespmem:s16+$0xFFFFFFB0];
	v2 =	vmul.f32 $8.000000000e+00, v5;
	[tilespmem:s16+$0xFFFFFF40] =	vst v0  }
0x7d: {  	v4 =	vmul.f32 $8.000000000e+00, v6;
	[tilespmem:s16+$0xFFFFFF50] =	vst v1;
	v0 =	vld [tilespmem:s16+$0xFFFFFFC0]  }
0x7e: {  	[tilespmem:s16+$0xFFFFFF60] =	vst v2;
	v2 =	vmul.f32 $8.000000000e+00, v7;
	v1 =	vld [tilespmem:s16+$0xFFFFFFD0]  }
0x7f: {  	[tilespmem:s16+$0xFFFFFF70] =	vst v4;
	v4 =	vld [tilespmem:s16+$0xFFFFFFE0];
	v6 =	vmul.f32 $8.000000000e+00, v3  }
0x80: {  	v5 =	vmul.f32 $8.000000000e+00, v8;
	[tilespmem:s16+$0xFFFFFF80] =	vst v2;
	v2 =	vld [tilespmem:s16+$0xFFFFFFF0]  }
0x81: {  	s19 =	simm.s32 $0x97F0;
	s17 =	simm.s32 $0x0;
	v3 =	vld [tilespmem:s16+$0xFFFFFF10];
	[tilespmem:s16+$0xFFFFFF90] =	vst v6;
	v6 =	vmul.f32 $8.000000000e+00, v9  }
.LBB2_5:
0x82: {  	v7 =	vld [tilespmem:s19+$0x0];
	s17 =	sadd.s32 $0x4, s17;
	[tilespmem:s16+$0xFFFFFFA0] =	vst v5;
	v0 =	vmul.f32 $8.000000000e+00, v0  }
0x83: {  	v5 =	vld [tilespmem:s19+$0xFFFFFF20];
	p0 =	slt.u32 s17, $0xC4;
	[tilespmem:s16+$0xFFFFFFB0] =	vst v6;
	v1 =	vmul.f32 $8.000000000e+00, v1  }
0x84: {  	v6 =	vld [tilespmem:s19+$0xFFFFFF30];
	[tilespmem:s16+$0xFFFFFFC0] =	vst v0;
	v0 =	vmul.f32 $8.000000000e+00, v4  }
0x85: {  	v4 =	vld [tilespmem:s19+$0xFFFFFF40];
	[tilespmem:s16+$0xFFFFFFD0] =	vst v1;
	v1 =	vmul.f32 $8.000000000e+00, v2  }
0x86: {  	v2 =	vld [tilespmem:s19+$0xFFFFFF50];
	v3 =	vmul.f32 $8.000000000e+00, v3;
	[tilespmem:s16+$0xFFFFFFE0] =	vst v0  }
0x87: {  	v0 =	vld [tilespmem:s19+$0xFFFFFF60];
	v7 =	vmul.f32 $8.000000000e+00, v7;
	[tilespmem:s16+$0xFFFFFFF0] =	vst v1  }
0x88: {  	v1 =	vmul.f32 $8.000000000e+00, v5;
	v5 =	vld [tilespmem:s19+$0xFFFFFF70];
	[tilespmem:s16+$0xFFFFFF10] =	vst v3;
	s16 =	smov.u32 s19  }
0x89: {  	v3 =	vmul.f32 $8.000000000e+00, v6;
	v6 =	vld [tilespmem:s19+$0xFFFFFF80];
	[tilespmem:s19+$0x0] =	vst v7  }
0x8a: {  	[tilespmem:s19+$0xFFFFFF20] =	vst v1;
	v1 =	vmul.f32 $8.000000000e+00, v4;
	v4 =	vld [tilespmem:s19+$0xFFFFFF90]  }
0x8b: {  	[tilespmem:s19+$0xFFFFFF30] =	vst v3;
	v2 =	vmul.f32 $8.000000000e+00, v2;
	v3 =	vld [tilespmem:s19+$0xFFFFFFA0]  }
0x8c: {  	[tilespmem:s19+$0xFFFFFF40] =	vst v1;
	v1 =	vmul.f32 $8.000000000e+00, v0;
	v7 =	vld [tilespmem:s19+$0xFFFFFFB0]  }
.Ltmp1:
0x8d: {  	[tilespmem:s19+$0xFFFFFF50] =	vst v2;
	v2 =	vmul.f32 $8.000000000e+00, v5;
	v0 =	vld [tilespmem:s19+$0xFFFFFFC0];
	(pc) =	sbr.rel @p0 .LBB2_5-.Ltmp1, $4  }
0x8e: {  	[tilespmem:s19+$0xFFFFFF60] =	vst v1;
	v5 =	vmul.f32 $8.000000000e+00, v6;
	v1 =	vld [tilespmem:s19+$0xFFFFFFD0]  }
0x8f: {  	[tilespmem:s19+$0xFFFFFF70] =	vst v2;
	v6 =	vmul.f32 $8.000000000e+00, v4;
	v4 =	vld [tilespmem:s19+$0xFFFFFFE0]  }
0x90: {  	[tilespmem:s19+$0xFFFFFF80] =	vst v5;
	v5 =	vmul.f32 $8.000000000e+00, v3;
	v2 =	vld [tilespmem:s19+$0xFFFFFFF0]  }
0x91: {  	s19 =	sadd.s32 $0x100, s19;
	v3 =	vld [tilespmem:s16+$0xFFFFFF10];
	[tilespmem:s16+$0xFFFFFF90] =	vst v6;
	v6 =	vmul.f32 $8.000000000e+00, v7  }
0x92: {  	[tilespmem:s16+$0xFFFFFFA0] =	vst v5;
	v0 =	vmul.f32 $8.000000000e+00, v0  }
0x93: {  	[tilespmem:s16+$0xFFFFFFB0] =	vst v6;
	v1 =	vmul.f32 $8.000000000e+00, v1  }
0x94: {  	s15 =	sadd.s32 s15, s3;
	[tilespmem:s16+$0xFFFFFFC0] =	vst v0;
	v0 =	vmul.f32 $8.000000000e+00, v4  }
0x95: {  	s15 =	smul.u32 $0x640, s15;
	[tilespmem:s16+$0xFFFFFFD0] =	vst v1;
	v1 =	vmul.f32 $8.000000000e+00, v2  }
0x96: {  	v2 =	vmul.f32 $8.000000000e+00, v3;
	[tilespmem:s16+$0xFFFFFFE0] =	vst v0  }
0x97: {  	s15 =	sadd.s32 s2, s15;
	[tilespmem:s16+$0xFFFFFFF0] =	vst v1  }
0x98: {  	s20 =	sadd.s32 $0x640, s15;
	[tilespmem:s16+$0xFFFFFF10] =	vst v2  }
0x99: {  	[hbm4b:s20+s4] =	stream.linear.scatter [tilespmem:s14], [sflag:$0x6], $0x3200, $0x38;
	[tilespmem:$0x12C00] =	vst v63  }
0x9a: {  	_ =	swait.ge [sflag:s28], $0x1E00  }
0x9b: {  	[sflag:s28] =	ssyncset.done $0x0  }
0x9c: {  	[sflag:s28] =	ssyncadd.s32 $0xFFFFE200  }
0x9d: {  	_ =	swait.ge [sflag:s28], $0x1400  }
0x9e: {  	[sflag:s28] =	ssyncset.done $0x0  }
0x9f: {  	s16 =	simm.s32 $0xC800;
	[sflag:s28] =	ssyncadd.s32 $0xFFFFEC00  }
0xa0: {  	v0 =	vld [tilespmem:s16+$0xF0]  }
0xa1: {  	v1 =	vld [tilespmem:s16+$0x10]  }
0xa2: {  	v2 =	vld [tilespmem:s16+$0x20]  }
0xa3: {  	v3 =	vld [tilespmem:s16+$0x30]  }
0xa4: {  	v4 =	vld [tilespmem:s16+$0x40]  }
0xa5: {  	v5 =	vld [tilespmem:s16+$0x50];
	v0 =	vmul.f32 $8.000000000e+00, v0  }
0xa6: {  	v6 =	vld [tilespmem:s16+$0x60];
	v1 =	vmul.f32 $8.000000000e+00, v1  }
0xa7: {  	v7 =	vld [tilespmem:s16+$0x70];
	v2 =	vmul.f32 $8.000000000e+00, v2;
	[tilespmem:s16+$0xF0] =	vst v0  }
0xa8: {  	[tilespmem:s16+$0x10] =	vst v1;
	v0 =	vmul.f32 $8.000000000e+00, v3;
	v3 =	vld [tilespmem:s16+$0x80]  }
0xa9: {  	[tilespmem:s16+$0x20] =	vst v2;
	v1 =	vmul.f32 $8.000000000e+00, v4;
	v4 =	vld [tilespmem:s16+$0x90]  }
0xaa: {  	v8 =	vld [tilespmem:s16+$0xA0];
	v2 =	vmul.f32 $8.000000000e+00, v5;
	[tilespmem:s16+$0x30] =	vst v0  }
0xab: {  	v5 =	vmul.f32 $8.000000000e+00, v6;
	[tilespmem:s16+$0x40] =	vst v1;
	v0 =	vld [tilespmem:s16+$0xB0]  }
0xac: {  	v6 =	vmul.f32 $8.000000000e+00, v7;
	[tilespmem:s16+$0x50] =	vst v2;
	v1 =	vld [tilespmem:s16+$0xC0]  }
0xad: {  	[tilespmem:s16+$0x60] =	vst v5;
	v2 =	vld [tilespmem:s16+$0xD0];
	v7 =	vmul.f32 $8.000000000e+00, v3  }
0xae: {  	[tilespmem:s16+$0x70] =	vst v6;
	v3 =	vld [tilespmem:s16+$0xE0];
	v5 =	vmul.f32 $8.000000000e+00, v4  }
0xaf: {  	s17 =	simm.s32 $0x0;
	s19 =	simm.s32 $0xC900;
	v6 =	vmul.f32 $8.000000000e+00, v8;
	v4 =	vld [tilespmem:s16+$0x0];
	[tilespmem:s16+$0x80] =	vst v7  }
.LBB2_7:
0xb0: {  	v7 =	vld [tilespmem:s19+$0xF0];
	s17 =	sadd.s32 $0x4, s17;
	[tilespmem:s16+$0x90] =	vst v5;
	v0 =	vmul.f32 $8.000000000e+00, v0  }
0xb1: {  	v5 =	vld [tilespmem:s19+$0x10];
	p0 =	slt.u32 s17, $0xC4;
	[tilespmem:s16+$0xA0] =	vst v6;
	v1 =	vmul.f32 $8.000000000e+00, v1  }
0xb2: {  	v6 =	vld [tilespmem:s19+$0x20];
	[tilespmem:s16+$0xB0] =	vst v0;
	v0 =	vmul.f32 $8.000000000e+00, v2  }
0xb3: {  	v2 =	vld [tilespmem:s19+$0x30];
	[tilespmem:s16+$0xC0] =	vst v1;
	v1 =	vmul.f32 $8.000000000e+00, v3  }
0xb4: {  	v3 =	vld [tilespmem:s19+$0x40];
	v4 =	vmul.f32 $8.000000000e+00, v4;
	[tilespmem:s16+$0xD0] =	vst v0  }
0xb5: {  	v0 =	vld [tilespmem:s19+$0x50];
	v7 =	vmul.f32 $8.000000000e+00, v7;
	[tilespmem:s16+$0xE0] =	vst v1  }
0xb6: {  	v1 =	vmul.f32 $8.000000000e+00, v5;
	v5 =	vld [tilespmem:s19+$0x60];
	[tilespmem:s16+$0x0] =	vst v4;
	s16 =	smov.u32 s19  }
0xb7: {  	v4 =	vmul.f32 $8.000000000e+00, v6;
	v6 =	vld [tilespmem:s19+$0x70];
	[tilespmem:s19+$0xF0] =	vst v7  }
0xb8: {  	[tilespmem:s19+$0x10] =	vst v1;
	v1 =	vmul.f32 $8.000000000e+00, v2;
	v2 =	vld [tilespmem:s19+$0x80]  }
0xb9: {  	[tilespmem:s19+$0x20] =	vst v4;
	v3 =	vmul.f32 $8.000000000e+00, v3;
	v4 =	vld [tilespmem:s19+$0x90]  }
0xba: {  	[tilespmem:s19+$0x30] =	vst v1;
	v1 =	vmul.f32 $8.000000000e+00, v0;
	v7 =	vld [tilespmem:s19+$0xA0]  }
.Ltmp2:
0xbb: {  	[tilespmem:s19+$0x40] =	vst v3;
	v3 =	vmul.f32 $8.000000000e+00, v5;
	v0 =	vld [tilespmem:s19+$0xB0];
	(pc) =	sbr.rel @p0 .LBB2_7-.Ltmp2, $4  }
0xbc: {  	[tilespmem:s19+$0x50] =	vst v1;
	v5 =	vmul.f32 $8.000000000e+00, v6;
	v1 =	vld [tilespmem:s19+$0xC0]  }
0xbd: {  	[tilespmem:s19+$0x60] =	vst v3;
	v6 =	vmul.f32 $8.000000000e+00, v2;
	v2 =	vld [tilespmem:s19+$0xD0]  }
0xbe: {  	[tilespmem:s19+$0x70] =	vst v5;
	v5 =	vmul.f32 $8.000000000e+00, v4;
	v3 =	vld [tilespmem:s19+$0xE0]  }
0xbf: {  	s19 =	sadd.s32 $0x100, s19;
	v4 =	vld [tilespmem:s16+$0x0];
	[tilespmem:s16+$0x80] =	vst v6;
	v6 =	vmul.f32 $8.000000000e+00, v7  }
0xc0: {  	[tilespmem:s16+$0x90] =	vst v5;
	v0 =	vmul.f32 $8.000000000e+00, v0  }
0xc1: {  	[tilespmem:s16+$0xA0] =	vst v6;
	v1 =	vmul.f32 $8.000000000e+00, v1  }
0xc2: {  	[tilespmem:s16+$0xB0] =	vst v0;
	v0 =	vmul.f32 $8.000000000e+00, v2  }
0xc3: {  	[tilespmem:s16+$0xC0] =	vst v1;
	v1 =	vmul.f32 $8.000000000e+00, v3  }
0xc4: {  	v2 =	vmul.f32 $8.000000000e+00, v4;
	[tilespmem:s16+$0xD0] =	vst v0  }
0xc5: {  	[tilespmem:s16+$0xE0] =	vst v1  }
0xc6: {  	s20 =	sadd.s32 $0xC80, s15;
	[tilespmem:s16+$0x0] =	vst v2  }
0xc7: {  	[hbm4b:s20+s4] =	stream.linear.scatter [tilespmem:s18], [sflag:$0x7], $0x3200, $0x38;
	[tilespmem:$0x12C00] =	vst v63  }
0xc8: {  	_ =	swait.ge [sflag:s29], $0x1E00  }
0xc9: {  	[sflag:s29] =	ssyncset.done $0x0  }
0xca: {  	[sflag:s29] =	ssyncadd.s32 $0xFFFFE200  }
0xcb: {  	_ =	swait.ge [sflag:s29], $0x1400  }
0xcc: {  	[sflag:s29] =	ssyncset.done $0x0  }
0xcd: {  	s16 =	simm.s32 $0xFA00;
	[sflag:s29] =	ssyncadd.s32 $0xFFFFEC00  }
0xce: {  	v0 =	vld [tilespmem:s16+$0xF0]  }
0xcf: {  	v1 =	vld [tilespmem:s16+$0x10]  }
0xd0: {  	v2 =	vld [tilespmem:s16+$0x20]  }
0xd1: {  	v3 =	vld [tilespmem:s16+$0x30]  }
0xd2: {  	v4 =	vld [tilespmem:s16+$0x40]  }
0xd3: {  	v5 =	vld [tilespmem:s16+$0x50];
	v0 =	vmul.f32 $8.000000000e+00, v0  }
0xd4: {  	v6 =	vld [tilespmem:s16+$0x60];
	v1 =	vmul.f32 $8.000000000e+00, v1  }
0xd5: {  	v7 =	vld [tilespmem:s16+$0x70];
	v2 =	vmul.f32 $8.000000000e+00, v2;
	[tilespmem:s16+$0xF0] =	vst v0  }
0xd6: {  	[tilespmem:s16+$0x10] =	vst v1;
	v0 =	vmul.f32 $8.000000000e+00, v3;
	v3 =	vld [tilespmem:s16+$0x80]  }
0xd7: {  	[tilespmem:s16+$0x20] =	vst v2;
	v1 =	vmul.f32 $8.000000000e+00, v4;
	v4 =	vld [tilespmem:s16+$0x90]  }
0xd8: {  	v8 =	vld [tilespmem:s16+$0xA0];
	v2 =	vmul.f32 $8.000000000e+00, v5;
	[tilespmem:s16+$0x30] =	vst v0  }
0xd9: {  	v5 =	vmul.f32 $8.000000000e+00, v6;
	[tilespmem:s16+$0x40] =	vst v1;
	v0 =	vld [tilespmem:s16+$0xB0]  }
0xda: {  	v6 =	vmul.f32 $8.000000000e+00, v7;
	[tilespmem:s16+$0x50] =	vst v2;
	v1 =	vld [tilespmem:s16+$0xC0]  }
0xdb: {  	[tilespmem:s16+$0x60] =	vst v5;
	v2 =	vld [tilespmem:s16+$0xD0];
	v7 =	vmul.f32 $8.000000000e+00, v3  }
0xdc: {  	[tilespmem:s16+$0x70] =	vst v6;
	v3 =	vld [tilespmem:s16+$0xE0];
	v5 =	vmul.f32 $8.000000000e+00, v4  }
0xdd: {  	s17 =	simm.s32 $0x0;
	s19 =	simm.s32 $0xFB00;
	v6 =	vmul.f32 $8.000000000e+00, v8;
	v4 =	vld [tilespmem:s16+$0x0];
	[tilespmem:s16+$0x80] =	vst v7  }
.LBB2_9:
0xde: {  	v7 =	vld [tilespmem:s19+$0xF0];
	s17 =	sadd.s32 $0x4, s17;
	[tilespmem:s16+$0x90] =	vst v5;
	v0 =	vmul.f32 $8.000000000e+00, v0  }
0xdf: {  	v5 =	vld [tilespmem:s19+$0x10];
	p0 =	slt.u32 s17, $0xC4;
	[tilespmem:s16+$0xA0] =	vst v6;
	v1 =	vmul.f32 $8.000000000e+00, v1  }
0xe0: {  	v6 =	vld [tilespmem:s19+$0x20];
	[tilespmem:s16+$0xB0] =	vst v0;
	v0 =	vmul.f32 $8.000000000e+00, v2  }
0xe1: {  	v2 =	vld [tilespmem:s19+$0x30];
	[tilespmem:s16+$0xC0] =	vst v1;
	v1 =	vmul.f32 $8.000000000e+00, v3  }
0xe2: {  	v3 =	vld [tilespmem:s19+$0x40];
	v4 =	vmul.f32 $8.000000000e+00, v4;
	[tilespmem:s16+$0xD0] =	vst v0  }
0xe3: {  	v0 =	vld [tilespmem:s19+$0x50];
	v7 =	vmul.f32 $8.000000000e+00, v7;
	[tilespmem:s16+$0xE0] =	vst v1  }
0xe4: {  	v1 =	vmul.f32 $8.000000000e+00, v5;
	v5 =	vld [tilespmem:s19+$0x60];
	[tilespmem:s16+$0x0] =	vst v4;
	s16 =	smov.u32 s19  }
0xe5: {  	v4 =	vmul.f32 $8.000000000e+00, v6;
	v6 =	vld [tilespmem:s19+$0x70];
	[tilespmem:s19+$0xF0] =	vst v7  }
0xe6: {  	[tilespmem:s19+$0x10] =	vst v1;
	v1 =	vmul.f32 $8.000000000e+00, v2;
	v2 =	vld [tilespmem:s19+$0x80]  }
0xe7: {  	[tilespmem:s19+$0x20] =	vst v4;
	v3 =	vmul.f32 $8.000000000e+00, v3;
	v4 =	vld [tilespmem:s19+$0x90]  }
0xe8: {  	[tilespmem:s19+$0x30] =	vst v1;
	v1 =	vmul.f32 $8.000000000e+00, v0;
	v7 =	vld [tilespmem:s19+$0xA0]  }
.Ltmp3:
0xe9: {  	[tilespmem:s19+$0x40] =	vst v3;
	v3 =	vmul.f32 $8.000000000e+00, v5;
	v0 =	vld [tilespmem:s19+$0xB0];
	(pc) =	sbr.rel @p0 .LBB2_9-.Ltmp3, $4  }
0xea: {  	[tilespmem:s19+$0x50] =	vst v1;
	v5 =	vmul.f32 $8.000000000e+00, v6;
	v1 =	vld [tilespmem:s19+$0xC0]  }
0xeb: {  	[tilespmem:s19+$0x60] =	vst v3;
	v6 =	vmul.f32 $8.000000000e+00, v2;
	v2 =	vld [tilespmem:s19+$0xD0]  }
0xec: {  	[tilespmem:s19+$0x70] =	vst v5;
	v5 =	vmul.f32 $8.000000000e+00, v4;
	v3 =	vld [tilespmem:s19+$0xE0]  }
0xed: {  	s19 =	sadd.s32 $0x100, s19;
	v4 =	vld [tilespmem:s16+$0x0];
	[tilespmem:s16+$0x80] =	vst v6;
	v6 =	vmul.f32 $8.000000000e+00, v7  }
0xee: {  	[tilespmem:s16+$0x90] =	vst v5;
	v0 =	vmul.f32 $8.000000000e+00, v0  }
0xef: {  	s13 =	sadd.s32 $0x1, s13;
	[tilespmem:s16+$0xA0] =	vst v6;
	v1 =	vmul.f32 $8.000000000e+00, v1  }
0xf0: {  	p0 =	sne.s32 s13, $0x20;
	[tilespmem:s16+$0xB0] =	vst v0;
	v61 =	vmul.f32 $8.000000000e+00, v2  }
.Ltmp4:
0xf1: {  	[tilespmem:s16+$0xC0] =	vst v1;
	v62 =	vmul.f32 $8.000000000e+00, v3;
	(pc) =	sbr.rel @p0 .LBB2_2-.Ltmp4, $4  }
0xf2: {  	v63 =	vmul.f32 $8.000000000e+00, v4;
	[tilespmem:s16+$0xD0] =	vst v61  }
0xf3: {  	[tilespmem:s16+$0xE0] =	vst v62  }
0xf4: {  	s15 =	sadd.s32 $0x12C0, s15;
	[tilespmem:s16+$0x0] =	vst v63  }
0xf5: {  	[hbm4b:s15+s4] =	stream.linear.scatter [tilespmem:s22], [sflag:$0x8], $0x3200, $0x38;
	[tilespmem:$0x12C00] =	vst v63  }
0xf6: {  	_ =	swait.ge [sflag:s30], $0x3200  }
0xf7: {  	[sflag:s30] =	ssyncset.done $0x0  }
0xf8: {  	[sflag:s30] =	ssyncadd.s32 $0xFFFFCE00  }
0xf9: {  	_ =	swait.ge [sflag:s31], $0x3200  }
0xfa: {  	[sflag:s31] =	ssyncset.done $0x0  }
0xfb: {  	s12 =	sadd.s32 $0x1, s12;
	[sflag:s31] =	ssyncadd.s32 $0xFFFFCE00  }
0xfc: {  	p0 =	sne.s32 s12, s7;
	_ =	swait.ge [sflag:s1], $0x3200  }
.Ltmp5:
0xfd: {  	[sflag:s1] =	ssyncset.done $0x0;
	(pc) =	sbr.rel @p0 .LBB2_1-.Ltmp5, $4  }
0xfe: {  	[sflag:s1] =	ssyncadd.s32 $0xFFFFCE00  }
0xff: {  	_ =	swait.ge [sflag:s0], $0x3200  }
0x100: {  	[sflag:s0] =	ssyncset.done $0x0  }
0x101: {  	[sflag:s0] =	ssyncadd.s32 $0xFFFFCE00  }
0x102: {  	_ =	sfence.sel $0x180000  }
0x103: {  	[bflag:$0x0] =	sbarrier.arrive $0xFFFF  }
0x104: {  	_ =	strace $0x90000047  }
0x105: {  	s0 =	stileid.u32;
	[bflag:$0x2] =	sbarrier.arrive $0xFFFF  }
0x106: {  	p0 =	sne.s32 s0, $0x0;
	s0 =	rddreg [dreg:$0x2]  }
0x107: {  	s0 =	sadd.s32 @!p0 $0x100000, s0  }
0x108: {  	[sflag:s0] =	ssyncadd.tile.s32 @!p0 $0x1;
	_ =	shalt  }
.Lfunc_end2:
_tile_overlayer_lowered:
.L_overlay_start_2:
0x109: {  	(tag) =	ssettag $0x2  }
0x10a: {  	s0 =	rddreg [dreg:$0x0];
	s2 =	stileid.u32  }
0x10b: {  	s1 =	rddreg [dreg:$0x1];
	p0 =	sne.s32 s2, $0x0  }
0x10c: {  	s3 =	rddreg [dreg:$0x2];
	[bflag:$0x3] =	sbarrier.arrive $0xFFFF;
	s2 =	simm.s32 @!p0 $0x1C09  }
0x10d: {  	[timem:s3], [sflag:s2] =	dma.local @!p0 [hbm:s0], s1  }
0x10e: {  	s0 =	simm.s32 @!p0 $0x9  }
0x10f: {  	_ =	swait.ge @!p0 [sflag:s0], s1  }
0x110: {  	s1 =	ssub.s32 @!p0 $0x0, s1;
	[sflag:s0] =	ssyncset.done @!p0 $0x0  }
0x111: {  	[sflag:s0] =	ssyncadd.s32 @!p0 s1  }
0x112: {  	[bflag:$0x3] =	sbarrier.arrive $0xFFFF  }
0x113: {  	_ =	shalt  }

// kernel: sparse-core-data-format-call.cloned.1.call-start
scs
called_computation_lowered:
.L_overlay_start_0:
0x0: {  	s2 =	sld [smem:$0x3FD9]  }
0x1: {  	s3 =	sld [smem:$0x3FFE];
	_ =	sdelay $0x1  }
0x2: {  	s1 =	srdreg.scid  }
0x3: {  	s0 =	sand.u32 $0x1, s1  }
0x4: {  	s18 =	sshll.u32 s0, $0xA;
	s2 =	sadd.s32 s3, s2  }
0x5: {  	s2 =	sadd.s32 s2, s18  }
0x6: {  	[smem:$0x3FC6] =	sst s2  }
0x7: {  	_ = 	snop  }
0x8: {  	s2 =	sld [smem:$0x3FD0];
	(tm) =	ssettm $0x1  }
0x9: {  	s19 =	sld [smem:$0x3FFB];
	_ =	sdelay $0x3  }
0xa: {  	_ =	strace s19  }
0xb: {  	s3 =	sld [smem:$0x3FFC];
	_ =	sdelay $0x3  }
0xc: {  	_ =	strace s3  }
0xd: {  	s3 =	sld [smem:$0x3FFD];
	_ =	sdelay $0x3  }
0xe: {  	_ =	strace s3  }
0xf: {  	_ =	strace $0x8FFFFFFF  }
0x10: {  	s20 =	sld [smem:$0x3FDB];
	_ =	sdelay $0x1  }
0x11: {  	s4 =	simm.s32 $_scs_section_size  }
0x12: {  	s5 =	simm.s32 $_size__tile_overlayer_lowered;
	s6 =	simm.s32 $_tile_overlayer_lowered  }
0x13: {  	s23 =	simm.s32 $0x1BFF;
	s22 =	sshll.u32 s6, $0x1;
	s3 =	sadd.s32 s4, s20  }
0x14: {  	s7 =	simm.s32 $0x0;
	s21 =	sshll.u32 s5, $0x1;
	s5 =	sadd.s32 s22, s3  }
0x15: {  	[timem:s7], [sflag:s23] =	dma.local [hbm:s5], s21  }
0x16: {  	_ =	swait.ge [sflag:s23], s21  }
0x17: {  	s4 =	ssub.s32 $0x0, s21;
	[sflag:s23] =	ssyncset.done $0x0  }
0x18: {  	[sflag:s23] =	ssyncadd.s32 s4;
	_ =	sdelay $0x1  }
0x19: {  	s24 =	simm.s32 $0x1B8B  }
0x1a: {  	_ =	swait.ge [sflag:s24], $0x1  }
0x1b: {  	[sflag:s24] =	ssyncset.done $0x0  }
0x1c: {  	s26 =	simm.s32 $0x1B8E;
	s25 =	sld [smem:$0x3FFE];
	[sflag:s24] =	ssyncadd.s32 $0xFFFFFFFF  }
0x1d: {  	s27 =	simm.s32 $execute0_lowered;
	[smem:$0x3FD2] =	sst s26  }
0x1e: {  	s5 =	sshll.u32 s27, $0x1;
	_ =	strace $0x80000049;
	[dreg:$0x1] =	wrdreg $0xFFFFFFFF  }
0x1f: {  	s28 =	simm.s32 $_size_execute0_lowered;
	s3 =	sadd.s32 s3, s5;
	[dreg:$0x0] =	wrdreg $0x0  }
0x20: {  	s5 =	sshll.u32 s28, $0x1;
	[dreg:$0x2] =	wrdreg s3  }
0x21: {  	[dreg:$0x3] =	wrdreg s5  }
0x22: {  	[dreg:$0x4] =	wrdreg $0xC0  }
0x23: {  	_ =	task [dreg:s7], $0x5FFFF  }
0x24: {  	[dreg:$0x1] =	wrdreg $0xFFFFFFFF  }
0x25: {  	[dreg:$0x0] =	wrdreg $0x60  }
0x26: {  	[dreg:$0x2] =	wrdreg s25  }
0x27: {  	[dreg:$0x3] =	wrdreg s2  }
0x28: {  	[dreg:$0x4] =	wrdreg $0x9  }
0x29: {  	_ =	task.clear_ibuf [dreg:s7], $0x5FFFF;
	_ =	strace $0x90000049  }
0x2a: {  	s29 =	simm.s32 $0x9;
	_ =	strace $0x8000004B  }
0x2b: {  	_ =	swait.ge [sflag:s29], $0x1  }
0x2c: {  	[sflag:s29] =	ssyncadd.s32 $0xFFFFFFFF  }
0x2d: {  	_ =	strace $0x9000004B  }
0x2e: {  	_ =	sfence  }
0x2f: {  	s30 =	sld [smem:$0x0];
	_ =	sdelay $0x2  }
0x30: {  	s31 =	sshll.u32 s1, $0xD;
	s1 =	sshrl.u32 s1, $0x2  }
0x31: {  	s3 =	sand.u32 $0x4000, s31;
	s1 =	sadd.s32 s1, s30  }
0x32: {  	s0 =	sor.u32 s3, s0;
	s1 =	sshll.u32 s1, $0x11  }
0x33: {  	s0 =	sor.u32 s1, s0  }
0x34: {  	s0 =	sadd.s32 $0x8F2B, s0  }
0x35: {  	[sflag:s0] =	ssyncadd.remote.s32 $0x1  }
0x36: {  	_ =	sfence.sel $0xFFFF  }
0x37: {  	[dreg:$0x0] =	wrdreg $0xFFFFFFFF;
	(pc) =	sbr.abs _section_cstart, $3  }
0x38: {  	[dreg:$0x1] =	wrdreg $0xFFFFFFFF  }
0x39: {  	_ =	task.clear_ibuf [dreg:s7], $0x2FFFF;
	_ =	strace $0x9FFFFFFF  }
0x3a: {  	(tm) =	ssettm $0x7FFFFFFF  }
0x3b: {  	_ =	shalt  }
tec
execute0_lowered:
.L_overlay_start_1:
0x0: {  	(tag) =	ssettag $0x1  }
0x1: {  	s0 =	srdreg.scid  }
0x2: {  	s1 =	sshll.u32 s0, $0x4  }
0x3: {  	s0 =	stileid.u32;
	s1 =	sand.u32 $0x10, s1  }
0x4: {  	s1 =	sor.u32 s0, s1  }
0x5: {  	s6 =	rddreg [dreg:$0x0];
	s4 =	simm.s32 $0x1;
	s2 =	sshll.u32 s1, $0x7  }
0x6: {  	s7 =	simm.s32 $0x2;
	s12 =	simm.s32 $0x0;
	s1 =	ssub.s32 $0x1000, s2  }
0x7: {  	s8 =	simm.s32 $0x8000;
	s13 =	simm.s32 $0x0;
	s3 =	sand.u32 $0xF80, s1  }
0x8: {  	s9 =	simm.s32 $0x0;
	s5 =	sshrl.u32 s1, $0xC;
	p0 =	sne.s32 s3, $0x0  }
.Ltmp0:
0x9: {  	s1 =	rddreg [dreg:$0x2];
	s4 =	simm.s32 @!p0 $0x0;
	(pc) =	sbr.rel .LBB1_1-.Ltmp0, $4  }
0xa: {  	s11 =	simm.s32 $0x0;
	s3 =	rddreg [dreg:$0x1];
	s5 =	sadd.s32 s4, s5  }
0xb: {  	_ =	strace $0x8000004A;
	s4 =	simm.s32 $0x1;
	s5 =	smul.u32 $0xC8, s5  }
0xc: {  	s6 =	sadd.s32 $0xA00, s6;
	s10 =	smov.u32 s2;
	[sflag:s4] =	ssyncpa.u1 $0x0  }
0xd: {  	p0 =	por $0x0, $0x0;
	[sflag:s7] =	ssyncpa.u1 $0x0;
	s7 =	sor.u32 $0x1, s5  }
.LBB1_4:
0xe: {  	s16 =	sshll.u32 s13, $0x3;
	s17 =	sand.u32 $0x78, s13  }
0xf: {  	s30 =	sand.u32 $0x7E00, s13;
	s12 =	sshll.u32 s12, $0xF;
	s16 =	sand.u32 $0xC00, s16  }
0x10: {  	[tilespmem:s15+$0x810 ss:$0x81] =	vst.msk $0xffff, v2;
	s31 =	sand.u32 $0x7, s13;
	s16 =	sor.u32 s17, s16;
	s17 =	sadd.s32 s3, s30  }
0x11: {  	[tilespmem:s15+$0x1020 ss:$0x81] =	vst.msk $0xffff, v0;
	s13 =	sshll.u32 s31, $0x12;
	s12 =	sadd.s32 s12, s17;
	s16 =	sshrl.u32 s16, $0x3  }
0x12: {  	[tilespmem:s15+$0x0 ss:$0x81] =	vst.msk $0xffff, v1;
	s13 =	sor.u32 $0x400, s13;
	s12 =	sadd.s32 s16, s12  }
0x13: {  	[hbm4b:s12+s13] =	stream.strided.scatter [tilespmem:s14], [sflag:$0x2], $0x2000, s8, s13, $0x20;
	[tilespmem:$0x8080] =	vst v63  }
.LBB1_5:
0x14: {  	s14 =	sadd.s32 $0x1, s9  }
0x15: {  	s12 =	sadd.s32 $0x1000, s10;
	s16 =	smov.u32 s10;
	p2 =	sgt.s32 s14, $0xC7  }
0x16: {  	s16 =	smov.u32 @p2 s12  }
0x17: {  	s14 =	simm.s32 @p2 $0x0;
	p2 =	sgt.s32 s16, $0xFFF  }
0x18: {  	s16 =	smov.u32 @p2 s2;
	p2 =	sne.s32 s11, s7  }
.Ltmp1:
0x19: {  	p1 =	slt.u32 s11, $0x2;
	(pc) =	sbr.rel @!p2 .LBB1_6-.Ltmp1, $4  }
0x1a: {  	s15 =	simm.s32 @!p1 $0x2  }
0x1b: {  	s13 =	smov.u32 s10;
	p0 =	por !p0, !p0;
	_ =	swait.ge @!p1 [sflag:s15], $0x2000  }
0x1c: {  	s12 =	smov.u32 s9;
	[sflag:s15] =	ssyncset.done @!p1 $0x0;
	s9 =	smov.u32 s14  }
0x1d: {  	s11 =	sadd.s32 $0x1, s11;
	[sflag:s15] =	ssyncadd.s32 @!p1 $0xFFFFE000;
	s10 =	smov.u32 s16  }
.LBB1_1:
0x1e: {  	p1 =	sge.u32 s11, s5  }
0x1f: {  	s14 =	sand.u32 @!p1 $0x1FFFFFF, s9  }
0x20: {  	s15 =	smulhi.u32 @!p1 $0x147AE15, s14;
	_ =	sdelay $0x1  }
0x21: {  	s15 =	smul.u32 @!p1 $0xC8, s15  }
0x22: {  	s16 =	sxor.u32 @!p1 $0xFFFFFFFF, s11;
	s17 =	smul.u32 @!p1 $0xC80, s10  }
0x23: {  	s31 =	sadd.s32 $0xFFFFFFFF, s11;
	s16 =	sshll.u32 @!p1 s16, $0xD;
	s14 =	ssub.s32 @!p1 s14, s15  }
0x24: {  	s15 =	sand.u32 @!p1 $0x2000, s16;
	s16 =	sadd.s32 @!p1 s6, s17;
	s14 =	sshll.u32 @!p1 s14, $0x4  }
0x25: {  	s17 =	simm.s32 @!p1 $0x6400;
	s14 =	sadd.s32 @!p1 s14, s16;
	s16 =	simm.s32 @!p1 $0x40  }
0x26: {  	[tilespmem:s15], [sflag:$0x1] =	stream.strided.gather @!p1 [hbm4b:s14+s16], $0x2000, s17, s16, $0x38;
	[tilespmem:$0x8080] =	vst v63  }
0x27: {  	p1 =	sge.u32 s31, s5  }
.Ltmp2:
0x28: {  	_ = 	snop;
	(pc) =	sbr.rel @p1 .LBB1_5-.Ltmp2, $1  }
0x29: {  	_ =	sdelay $0x3  }
0x2a: {  	s14 =	simm.s32 $0x1  }
0x2b: {  	_ =	swait.ge [sflag:s4], $0x2000;
	s14 =	simm.s32 @!p0 $0x0  }
0x2c: {  	[sflag:s4] =	ssyncset.done $0x0;
	s15 =	sshll.u32 s14, $0xD  }
0x2d: {  	[sflag:s4] =	ssyncadd.s32 $0xFFFFE000;
	s18 =	sor.u32 $0x20, s15  }
0x2e: {  	s14 =	smul.u32 $0x8100, s14;
	v3 =	vld [tilespmem:s18+$0x10]  }
0x2f: {  	s30 =	sand.u32 $0x1, s11;
	v2 =	vld [tilespmem:s18+$0xFFFFFFF0]  }
0x30: {  	s15 =	smul.u32 $0x8100, s30;
	s14 =	sshrl.u32 s14, $0x2;
	v0 =	vld [tilespmem:s18+$0x0]  }
0x31: {  	v1 =	vld [tilespmem:s18+$0xFFFFFFE0];
	s16 =	sor.u32 $0x4000, s14  }
0x32: {  	s31 =	sshrl.u32 s15, $0x2;
	s15 =	sadd.s32 $0x0, s16  }
0x33: {  	s17 =	simm.s32 $0x4;
	s18 =	sadd.s32 $0x40, s18;
	s14 =	sor.u32 $0x4000, s31;
	[tilespmem:s15+$0x1830 ss:$0x81] =	vst.msk $0xffff, v3  }
.LBB1_3:
0x34: {  	v3 =	vld [tilespmem:s18+$0x10];
	p1 =	sne.s32 s17, $0x1FC;
	[tilespmem:s15+$0x810 ss:$0x81] =	vst.msk $0xffff, v2;
	s19 =	smov.u32 s17;
	s17 =	sadd.s32 $0x4, s17  }
.Ltmp3:
0x35: {  	v2 =	vld [tilespmem:s18+$0xFFFFFFF0];
	[tilespmem:s15+$0x1020 ss:$0x81] =	vst.msk $0xffff, v0;
	(pc) =	sbr.rel @p1 .LBB1_3-.Ltmp3, $4  }
0x36: {  	v0 =	vld [tilespmem:s18+$0x0];
	[tilespmem:s15+$0x0 ss:$0x81] =	vst.msk $0xffff, v1  }
0x37: {  	s15 =	sshra.s32 s19, $0x2;
	v1 =	vld [tilespmem:s18+$0xFFFFFFE0]  }
0x38: {  	s15 =	sadd.s32 s15, s16  }
0x39: {  	s18 =	sadd.s32 $0x40, s18;
	[tilespmem:s15+$0x1830 ss:$0x81] =	vst.msk $0xffff, v3  }
.Ltmp4:
0x3a: {  	_ = 	snop;
	(pc) =	sbr.rel .LBB1_4-.Ltmp4, $1  }
0x3b: {  	_ =	sdelay $0x3  }
.LBB1_6:
0x3c: {  	_ =	sfence.sel $0x180000  }
0x3d: {  	s2 =	simm.s32 $0x1;
	[bflag:$0x0] =	sbarrier.arrive $0xFFFF  }
0x3e: {  	s31 =	simm.s32 $0x2;
	[sflag:s2] =	ssyncpa.u1 $0x1  }
0x3f: {  	[sflag:s31] =	ssyncpa.u1 $0x1  }
0x40: {  	p0 =	sne.s32 s0, $0x0;
	_ =	strace $0x9000004A  }
0x41: {  	s0 =	sadd.s32 @!p0 $0x100000, s1;
	[bflag:$0x2] =	sbarrier.arrive $0xFFFF  }
0x42: {  	[sflag:s0] =	ssyncadd.tile.s32 @!p0 $0x1;
	_ =	shalt  }
.Lfunc_end1:
_tile_overlayer_lowered:
.L_overlay_start_2:
0x43: {  	(tag) =	ssettag $0x2  }
0x44: {  	s0 =	rddreg [dreg:$0x0];
	s2 =	stileid.u32  }
0x45: {  	s1 =	rddreg [dreg:$0x1];
	p0 =	sne.s32 s2, $0x0  }
0x46: {  	s3 =	rddreg [dreg:$0x2];
	[bflag:$0x3] =	sbarrier.arrive $0xFFFF;
	s2 =	simm.s32 @!p0 $0x1C01  }
0x47: {  	[timem:s3], [sflag:s2] =	dma.local @!p0 [hbm:s0], s1  }
0x48: {  	s0 =	simm.s32 @!p0 $0x1  }
0x49: {  	_ =	swait.ge @!p0 [sflag:s0], s1  }
0x4a: {  	s1 =	ssub.s32 @!p0 $0x0, s1;
	[sflag:s0] =	ssyncset.done @!p0 $0x0  }
0x4b: {  	[sflag:s0] =	ssyncadd.s32 @!p0 s1  }
0x4c: {  	[bflag:$0x3] =	sbarrier.arrive $0xFFFF  }
0x4d: {  	_ =	shalt  }

</sc_bundles>
